<compile_context>
chip_gen: v7x
topology: tpu7x:2x2x1
jax: 0.10.2.dev20260603
libtpu: 0.0.44.dev20260713+nightly
codegen_flags: <defaults>
</compile_context>

<pallas_src>
import functools

import jax
import jax.numpy as jnp
from jax import lax
from jax.experimental import pallas as pl
from jax.experimental.pallas import tpu as pltpu
from jax.experimental.pallas import tpu_sc as plsc

N = 10000
E = 320000
D = 128
DP = 144
NW = 32
CHUNK = 48
A = 216
B = 201
T_CHUNKS = 16 * (A + B)
E_PAD = T_CHUNKS * CHUNK
ACC_ROWS = 10240
ROWS_PT = ACC_ROWS // 16
TRASH = N
K = 3

_mesh = plsc.VectorSubcoreMesh(core_axis_name="c", subcore_axis_name="s")


@functools.partial(
    pl.kernel,
    mesh=_mesh,
    compiler_params=pltpu.CompilerParams(use_tc_tiling_on_sc=False),
    out_type=jax.ShapeDtypeStruct((2, ACC_ROWS, DP), jnp.float32),
    scratch_types=[
        pltpu.VMEM((max(A, B), CHUNK), jnp.int32),
        [pltpu.VMEM((2, CHUNK), jnp.int32)] * K,
        [pltpu.VMEM((CHUNK, DP), jnp.float32)] * K,
        pltpu.VMEM_SHARED((ACC_ROWS, DP), jnp.float32),
        [pltpu.SemaphoreType.DMA] * K,
        [pltpu.SemaphoreType.DMA] * K,
        pltpu.SemaphoreType.DMA,
    ],
)
def _sc_accumulate(xext, exi, out, packed, idxu, rows, acc, gsem, ssem, zsem):
    c = lax.axis_index("c")
    s = lax.axis_index("s")

    def unpack(t, b):
        for k in range(CHUNK // 16):
            v = packed[t, pl.ds(k * 16, 16)]
            idxu[b][0, pl.ds(k * 16, 16)] = v & 0xFFFF
            idxu[b][1, pl.ds(k * 16, 16)] = v >> 16

    def gather(t, b):
        return pltpu.make_async_copy(xext.at[idxu[b].at[0]], rows[b], gsem[b])

    def scatter(t, b):
        return pltpu.make_async_copy(rows[b], acc.at[idxu[b].at[1]], ssem[b])

    def prologue(start, n):
        pltpu.sync_copy(exi.at[pl.ds(start, n)], packed.at[pl.ds(0, n)])
        for t in range(2):
            unpack(t, t)
            gather(t, t).start()

    @pl.when(c == 0)
    def _():
        prologue(s * A, A)

    @pl.when(c == 1)
    def _():
        prologue(16 * A + s * B, B)

    zv = jnp.zeros((16,), jnp.float32)

    def zrow(i, carry):
        for j in range(DP // 16):
            rows[2][i, pl.ds(j * 16, 16)] = zv
        return carry

    lax.fori_loop(0, CHUNK, zrow, 0)
    rem = ROWS_PT - (ROWS_PT // CHUNK) * CHUNK
    zcopies = [
        pltpu.make_async_copy(
            rows[2], acc.at[pl.ds(s * ROWS_PT + j * CHUNK, CHUNK)], zsem)
        for j in range(ROWS_PT // CHUNK)
    ] + [
        pltpu.make_async_copy(
            rows[2].at[pl.ds(0, rem)],
            acc.at[pl.ds(s * ROWS_PT + ROWS_PT - rem, rem)], zsem)
    ]
    for zc in zcopies:
        zc.start()
    for zc in zcopies:
        zc.wait()
    plsc.subcore_barrier()

    def pipeline(n):
        def body(jj, carry):
            for u in range(K):
                b = u % K
                j = jj * K + u
                gather(j, b).wait()
                scatter(j, b).start(add=True)
                b2 = (u + 2) % K

                @pl.when(j + 2 < n)
                def _():
                    @pl.when(j >= 1)
                    def _():
                        scatter(j - 1, b2).wait()
                    unpack(j + 2, b2)
                    gather(j + 2, b2).start()

            return carry

        lax.fori_loop(0, n // K, body, 0)
        for u in range(K):
            j = n - K + u
            scatter(j, j % K).wait()

    @pl.when(c == 0)
    def _():
        pipeline(A)

    @pl.when(c == 1)
    def _():
        pipeline(B)

    plsc.subcore_barrier()

    off = s * ROWS_PT
    pltpu.sync_copy(acc.at[pl.ds(off, ROWS_PT)], out.at[c, pl.ds(off, ROWS_PT)])


BN = 400


def _finish_body(p_ref, x_ref, o_ref):
    p0 = p_ref[0]
    p1 = p_ref[1]
    cnt = p0[:, D:D + 1] + p1[:, D:D + 1]
    sums = p0[:, :D] + p1[:, :D]
    o_ref[:, :D] = sums / jnp.maximum(cnt, 1.0)
    o_ref[:, D:] = jnp.where(cnt > 0.0, x_ref[...], 0.0)


_finish = pl.pallas_call(
    _finish_body,
    grid=(N // BN,),
    in_specs=[
        pl.BlockSpec((2, BN, DP), lambda i: (0, i, 0)),
        pl.BlockSpec((BN, D), lambda i: (i, 0)),
    ],
    out_specs=pl.BlockSpec((BN, 2 * D), lambda i: (i, 0)),
    out_shape=jax.ShapeDtypeStruct((N, 2 * D), jnp.float32),
)


@jax.jit
def kernel(x, es):
    col = es[0]
    row = es[1]
    xext = jnp.concatenate(
        [x,
         jnp.ones((N, 1), jnp.float32),
         jnp.zeros((N, DP - D - 1), jnp.float32)], axis=1)
    pad = E_PAD - E
    rowp = jnp.concatenate([row, jnp.zeros((pad,), jnp.int32)])
    colp = jnp.concatenate([col, jnp.full((pad,), TRASH, jnp.int32)])
    packed = jnp.bitwise_or(jnp.left_shift(colp, 16), rowp)
    partial = _sc_accumulate(xext, packed.reshape(T_CHUNKS, CHUNK))
    return _finish(partial, x)

# --- scband reference (transcript-rebuilt; emitter-appended) ---
"""Pipeline reference for scband-gnn-36086315221296 (READ-ONLY COPY).

The authoritative reference and input builder live on the scoring server;
editing this copy changes nothing except your own understanding.
"""

import jax, jax.numpy as jnp
import numpy as np

N_NODES = 10000
N_EDGES = 320000
D_FEAT = 128


def setup_inputs(seed: int = 0) -> dict:
    key = jax.random.key(seed)
    k1, k2 = jax.random.split(key)
    x = jax.random.normal(k1, (N_NODES, D_FEAT), dtype=jnp.float32)
    es = jax.random.randint(k2, (2, N_EDGES), 0, N_NODES, dtype=jnp.int32)
    return {"x": x, "es": es}


def reference(x, es):
    # message(option='o2i'): col, row = es; x_i = x[row]; x_o = x[col]
    col = es[0]
    row = es[1]
    x_i = jnp.take(x, row, axis=0)
    x_o = jnp.take(x, col, axis=0)
    msg = jnp.concatenate([x_i, x_o], axis=-1)  # [E, 2*D]
    # aggregate with 'mean' (scatter mean over col into N_NODES segments)
    sums = jax.ops.segment_sum(msg, col, num_segments=N_NODES)
    cnt = jax.ops.segment_sum(jnp.ones((msg.shape[0],), dtype=msg.dtype), col, num_segments=N_NODES)
    out = sums / jnp.clip(cnt, 1.0)[:, None]
    return out

if __name__ == "__main__":
    import jax
    _d = setup_inputs()
    print(jax.jit(kernel)(*tuple(_d.values())))

</pallas_src>

<mosaic_0001>
#map = affine_map<(d0, d1) -> (0, 0)>
#map1 = affine_map<(d0, d1) -> (0, 0, 0)>
module attributes {stable_mosaic.version = 14 : i64} {
  func.func @_sc_accumulate(%arg0: i32, %arg1: i32, %arg2: memref<10000x144xf32, #tpu.memory_space<hbm>>, %arg3: memref<6672x48xi32, #tpu.memory_space<hbm>>, %arg4: memref<2x10240x144xf32, #tpu.memory_space<hbm>>, %arg5: memref<216x48xi32, #tpu.memory_space<vmem>>, %arg6: memref<2x48xi32, #tpu.memory_space<vmem>>, %arg7: memref<2x48xi32, #tpu.memory_space<vmem>>, %arg8: memref<2x48xi32, #tpu.memory_space<vmem>>, %arg9: memref<48x144xf32, #tpu.memory_space<vmem>>, %arg10: memref<48x144xf32, #tpu.memory_space<vmem>>, %arg11: memref<48x144xf32, #tpu.memory_space<vmem>>, %arg12: memref<10240x144xf32, #tpu.memory_space<vmem_shared>>, %arg13: memref<!tpu.dma_semaphore, #tpu.memory_space<semaphore_mem>>, %arg14: memref<!tpu.dma_semaphore, #tpu.memory_space<semaphore_mem>>, %arg15: memref<!tpu.dma_semaphore, #tpu.memory_space<semaphore_mem>>, %arg16: memref<!tpu.dma_semaphore, #tpu.memory_space<semaphore_mem>>, %arg17: memref<!tpu.dma_semaphore, #tpu.memory_space<semaphore_mem>>, %arg18: memref<!tpu.dma_semaphore, #tpu.memory_space<semaphore_mem>>, %arg19: memref<!tpu.dma_semaphore, #tpu.memory_space<semaphore_mem>>) attributes {dimension_semantics = [#tpu.dimension_semantics<core_parallel>, #tpu.dimension_semantics<subcore_parallel>], iteration_bounds = array<i64: 2, 16>, scalar_prefetch = 0 : i64, scratch_operands = 15 : i64, tpu.core_type = #tpu.core_type<sc_vector_subcore>, window_params = [{transform_indices = #map}, {transform_indices = #map}, {transform_indices = #map1}]} {
    %eq3A = arith.constant 0 : i32
    %eq3A_0 = arith.cmpi eq, %arg0, %eq3A : i32
    %convert_element_type3A = arith.extui %eq3A_0 : i1 to i32
    %cond3A = arith.constant 0 : i32
    %cond3A_1 = arith.cmpi ne, %convert_element_type3A, %cond3A : i32
    scf.if %cond3A_1 {
      %mul3A_203 = arith.constant 216 : i32
      %mul3A_204 = arith.muli %arg1, %mul3A_203 : i32
      "tpu.region"() ({
        %run_scoped3A = tpu.sem_alloc : memref<!tpu.dma_semaphore, #tpu.memory_space<semaphore_mem>>
        %dma_start3A_353 = arith.constant 0 : i32
        %dma_start3A_354 = arith.constant 0 : i32
        %dma_start3A_355 = tpu.memref_slice %arg5[%dma_start3A_353, %dma_start3A_354] : memref<216x48xi32, #tpu.memory_space<vmem>> -> memref<216x48xi32, #tpu.memory_space<vmem>>
        %dma_start3A_356 = arith.constant 0 : i32
        %dma_start3A_357 = tpu.memref_slice %arg3[%mul3A_204, %dma_start3A_356] : memref<6672x48xi32, #tpu.memory_space<hbm>> -> memref<216x48xi32, #tpu.memory_space<hbm>>
        %dma_start3A_358 = arith.constant 0 : i32
        %dma_start3A_359 = arith.constant 0 : i32
        %dma_start3A_360 = tpu.memref_slice %arg5[%dma_start3A_358, %dma_start3A_359] : memref<216x48xi32, #tpu.memory_space<vmem>> -> memref<216x48xi32, #tpu.memory_space<vmem>>
        %dma_start3A_361 = arith.constant 0 : i32
        %dma_start3A_362 = tpu.memref_slice %arg3[%mul3A_204, %dma_start3A_361] : memref<6672x48xi32, #tpu.memory_space<hbm>> -> memref<216x48xi32, #tpu.memory_space<hbm>>
        tpu.enqueue_dma source(%dma_start3A_362 : memref<216x48xi32, #tpu.memory_space<hbm>>) target(%dma_start3A_360 : memref<216x48xi32, #tpu.memory_space<vmem>>) target_semaphore(%run_scoped3A : memref<!tpu.dma_semaphore, #tpu.memory_space<semaphore_mem>>)
        %dma_wait3A_363 = arith.constant 0 : i32
        %dma_wait3A_364 = arith.constant 0 : i32
        %dma_wait3A_365 = tpu.memref_slice %arg5[%dma_wait3A_363, %dma_wait3A_364] : memref<216x48xi32, #tpu.memory_space<vmem>> -> memref<216x48xi32, #tpu.memory_space<vmem>>
        %dma_wait3A_366 = arith.constant 0 : i32
        %dma_wait3A_367 = tpu.memref_slice %arg3[%mul3A_204, %dma_wait3A_366] : memref<6672x48xi32, #tpu.memory_space<hbm>> -> memref<216x48xi32, #tpu.memory_space<hbm>>
        %dma_wait3A_368 = arith.constant 0 : i32
        %dma_wait3A_369 = arith.constant 0 : i32
        %dma_wait3A_370 = tpu.memref_slice %arg5[%dma_wait3A_368, %dma_wait3A_369] : memref<216x48xi32, #tpu.memory_space<vmem>> -> memref<216x48xi32, #tpu.memory_space<vmem>>
        %dma_wait3A_371 = arith.constant 0 : i32
        %dma_wait3A_372 = tpu.memref_slice %arg3[%mul3A_204, %dma_wait3A_371] : memref<6672x48xi32, #tpu.memory_space<hbm>> -> memref<216x48xi32, #tpu.memory_space<hbm>>
        tpu.wait_dma2 semaphore(%run_scoped3A : memref<!tpu.dma_semaphore, #tpu.memory_space<semaphore_mem>>) src(%dma_wait3A_372 : memref<216x48xi32, #tpu.memory_space<hbm>>) dst(%dma_wait3A_370 : memref<216x48xi32, #tpu.memory_space<vmem>>)
        tpu.yield
      }) : () -> ()
      %get3A = arith.constant 0 : i32
      %get3A_205 = arith.index_cast %get3A : i32 to index
      %get3A_206 = arith.constant 0 : index
      %get3A_207 = tpu.vector_load %arg5[%get3A_205, %get3A_206] {strides = array<i32>} : memref<216x48xi32, #tpu.memory_space<vmem>>, vector<1x16xi32>,
      %get3A_208 = vector.shape_cast %get3A_207 : vector<1x16xi32> to vector<16xi32>
      %and3A = arith.constant 65535 : i32
      %and3A_209 = vector.broadcast %and3A : i32 to vector<16xi32>
      %and3A_210 = arith.andi %get3A_208, %and3A_209 : vector<16xi32>
      %swap3A = arith.constant 0 : i32
      %swap3A_211 = arith.index_cast %swap3A : i32 to index
      %swap3A_212 = arith.constant 0 : index
      %swap3A_213 = tpu.vector_load %arg6[%swap3A_211, %swap3A_212] {strides = array<i32>} : memref<2x48xi32, #tpu.memory_space<vmem>>, vector<1x16xi32>,
      %swap3A_214 = vector.shape_cast %swap3A_213 : vector<1x16xi32> to vector<16xi32>
      %swap3A_215 = vector.shape_cast %and3A_210 : vector<16xi32> to vector<1x16xi32>
      tpu.vector_store %arg6[%swap3A_211, %swap3A_212], %swap3A_215 {strides = array<i32>} : memref<2x48xi32, #tpu.memory_space<vmem>>, vector<1x16xi32>,
      %shift_right_arithmetic3A = arith.constant 16 : i32
      %shift_right_arithmetic3A_216 = vector.broadcast %shift_right_arithmetic3A : i32 to vector<16xi32>
      %shift_right_arithmetic3A_217 = arith.shrsi %get3A_208, %shift_right_arithmetic3A_216 : vector<16xi32>
      %swap3A_218 = arith.constant 1 : i32
      %swap3A_219 = arith.index_cast %swap3A_218 : i32 to index
      %swap3A_220 = arith.constant 0 : index
      %swap3A_221 = tpu.vector_load %arg6[%swap3A_219, %swap3A_220] {strides = array<i32>} : memref<2x48xi32, #tpu.memory_space<vmem>>, vector<1x16xi32>,
      %swap3A_222 = vector.shape_cast %swap3A_221 : vector<1x16xi32> to vector<16xi32>
      %swap3A_223 = vector.shape_cast %shift_right_arithmetic3A_217 : vector<16xi32> to vector<1x16xi32>
      tpu.vector_store %arg6[%swap3A_219, %swap3A_220], %swap3A_223 {strides = array<i32>} : memref<2x48xi32, #tpu.memory_space<vmem>>, vector<1x16xi32>,
      %get3A_224 = arith.constant 0 : i32
      %get3A_225 = arith.index_cast %get3A_224 : i32 to index
      %get3A_226 = arith.constant 16 : index
      %get3A_227 = tpu.vector_load %arg5[%get3A_225, %get3A_226] {strides = array<i32>} : memref<216x48xi32, #tpu.memory_space<vmem>>, vector<1x16xi32>,
      %get3A_228 = vector.shape_cast %get3A_227 : vector<1x16xi32> to vector<16xi32>
      %and3A_229 = arith.constant 65535 : i32
      %and3A_230 = vector.broadcast %and3A_229 : i32 to vector<16xi32>
      %and3A_231 = arith.andi %get3A_228, %and3A_230 : vector<16xi32>
      %swap3A_232 = arith.constant 0 : i32
      %swap3A_233 = arith.index_cast %swap3A_232 : i32 to index
      %swap3A_234 = arith.constant 16 : index
      %swap3A_235 = tpu.vector_load %arg6[%swap3A_233, %swap3A_234] {strides = array<i32>} : memref<2x48xi32, #tpu.memory_space<vmem>>, vector<1x16xi32>,
      %swap3A_236 = vector.shape_cast %swap3A_235 : vector<1x16xi32> to vector<16xi32>
      %swap3A_237 = vector.shape_cast %and3A_231 : vector<16xi32> to vector<1x16xi32>
      tpu.vector_store %arg6[%swap3A_233, %swap3A_234], %swap3A_237 {strides = array<i32>} : memref<2x48xi32, #tpu.memory_space<vmem>>, vector<1x16xi32>,
      %shift_right_arithmetic3A_238 = arith.constant 16 : i32
      %shift_right_arithmetic3A_239 = vector.broadcast %shift_right_arithmetic3A_238 : i32 to vector<16xi32>
      %shift_right_arithmetic3A_240 = arith.shrsi %get3A_228, %shift_right_arithmetic3A_239 : vector<16xi32>
      %swap3A_241 = arith.constant 1 : i32
      %swap3A_242 = arith.index_cast %swap3A_241 : i32 to index
      %swap3A_243 = arith.constant 16 : index
      %swap3A_244 = tpu.vector_load %arg6[%swap3A_242, %swap3A_243] {strides = array<i32>} : memref<2x48xi32, #tpu.memory_space<vmem>>, vector<1x16xi32>,
      %swap3A_245 = vector.shape_cast %swap3A_244 : vector<1x16xi32> to vector<16xi32>
      %swap3A_246 = vector.shape_cast %shift_right_arithmetic3A_240 : vector<16xi32> to vector<1x16xi32>
      tpu.vector_store %arg6[%swap3A_242, %swap3A_243], %swap3A_246 {strides = array<i32>} : memref<2x48xi32, #tpu.memory_space<vmem>>, vector<1x16xi32>,
      %get3A_247 = arith.constant 0 : i32
      %get3A_248 = arith.index_cast %get3A_247 : i32 to index
      %get3A_249 = arith.constant 32 : index
      %get3A_250 = tpu.vector_load %arg5[%get3A_248, %get3A_249] {strides = array<i32>} : memref<216x48xi32, #tpu.memory_space<vmem>>, vector<1x16xi32>,
      %get3A_251 = vector.shape_cast %get3A_250 : vector<1x16xi32> to vector<16xi32>
      %and3A_252 = arith.constant 65535 : i32
      %and3A_253 = vector.broadcast %and3A_252 : i32 to vector<16xi32>
      %and3A_254 = arith.andi %get3A_251, %and3A_253 : vector<16xi32>
      %swap3A_255 = arith.constant 0 : i32
      %swap3A_256 = arith.index_cast %swap3A_255 : i32 to index
      %swap3A_257 = arith.constant 32 : index
      %swap3A_258 = tpu.vector_load %arg6[%swap3A_256, %swap3A_257] {strides = array<i32>} : memref<2x48xi32, #tpu.memory_space<vmem>>, vector<1x16xi32>,
      %swap3A_259 = vector.shape_cast %swap3A_258 : vector<1x16xi32> to vector<16xi32>
      %swap3A_260 = vector.shape_cast %and3A_254 : vector<16xi32> to vector<1x16xi32>
      tpu.vector_store %arg6[%swap3A_256, %swap3A_257], %swap3A_260 {strides = array<i32>} : memref<2x48xi32, #tpu.memory_space<vmem>>, vector<1x16xi32>,
      %shift_right_arithmetic3A_261 = arith.constant 16 : i32
      %shift_right_arithmetic3A_262 = vector.broadcast %shift_right_arithmetic3A_261 : i32 to vector<16xi32>
      %shift_right_arithmetic3A_263 = arith.shrsi %get3A_251, %shift_right_arithmetic3A_262 : vector<16xi32>
      %swap3A_264 = arith.constant 1 : i32
      %swap3A_265 = arith.index_cast %swap3A_264 : i32 to index
      %swap3A_266 = arith.constant 32 : index
      %swap3A_267 = tpu.vector_load %arg6[%swap3A_265, %swap3A_266] {strides = array<i32>} : memref<2x48xi32, #tpu.memory_space<vmem>>, vector<1x16xi32>,
      %swap3A_268 = vector.shape_cast %swap3A_267 : vector<1x16xi32> to vector<16xi32>
      %swap3A_269 = vector.shape_cast %shift_right_arithmetic3A_263 : vector<16xi32> to vector<1x16xi32>
      tpu.vector_store %arg6[%swap3A_265, %swap3A_266], %swap3A_269 {strides = array<i32>} : memref<2x48xi32, #tpu.memory_space<vmem>>, vector<1x16xi32>,
      %dma_start3A_270 = arith.constant 0 : i32
      %dma_start3A_271 = arith.constant 0 : i32
      %dma_start3A_272 = tpu.memref_slice %arg6[%dma_start3A_270, %dma_start3A_271] : memref<2x48xi32, #tpu.memory_space<vmem>> -> memref<1x48xi32, #tpu.memory_space<vmem>>
      %dma_start3A_273 = tpu.memref_squeeze %dma_start3A_272 : memref<1x48xi32, #tpu.memory_space<vmem>> -> memref<48xi32, #tpu.memory_space<vmem>>
      %dma_start3A_274 = arith.constant 0 : i32
      %dma_start3A_275 = arith.constant 0 : i32
      %dma_start3A_276 = tpu.memref_slice %arg2[%dma_start3A_274, %dma_start3A_275] : memref<10000x144xf32, #tpu.memory_space<hbm>> -> memref<10000x144xf32, #tpu.memory_space<hbm>>
      tpu.enqueue_indirect_dma source(%dma_start3A_276 : memref<10000x144xf32, #tpu.memory_space<hbm>>) target(%arg9 : memref<48x144xf32, #tpu.memory_space<vmem>>) offsets(%dma_start3A_273 : memref<48xi32, #tpu.memory_space<vmem>>) semaphore(%arg13 : memref<!tpu.dma_semaphore, #tpu.memory_space<semaphore_mem>>)
      %get3A_277 = arith.constant 1 : i32
      %get3A_278 = arith.index_cast %get3A_277 : i32 to index
      %get3A_279 = arith.constant 0 : index
      %get3A_280 = tpu.vector_load %arg5[%get3A_278, %get3A_279] {strides = array<i32>} : memref<216x48xi32, #tpu.memory_space<vmem>>, vector<1x16xi32>,
      %get3A_281 = vector.shape_cast %get3A_280 : vector<1x16xi32> to vector<16xi32>
      %and3A_282 = arith.constant 65535 : i32
      %and3A_283 = vector.broadcast %and3A_282 : i32 to vector<16xi32>
      %and3A_284 = arith.andi %get3A_281, %and3A_283 : vector<16xi32>
      %swap3A_285 = arith.constant 0 : i32
      %swap3A_286 = arith.index_cast %swap3A_285 : i32 to index
      %swap3A_287 = arith.constant 0 : index
      %swap3A_288 = tpu.vector_load %arg7[%swap3A_286, %swap3A_287] {strides = array<i32>} : memref<2x48xi32, #tpu.memory_space<vmem>>, vector<1x16xi32>,
      %swap3A_289 = vector.shape_cast %swap3A_288 : vector<1x16xi32> to vector<16xi32>
      %swap3A_290 = vector.shape_cast %and3A_284 : vector<16xi32> to vector<1x16xi32>
      tpu.vector_store %arg7[%swap3A_286, %swap3A_287], %swap3A_290 {strides = array<i32>} : memref<2x48xi32, #tpu.memory_space<vmem>>, vector<1x16xi32>,
      %shift_right_arithmetic3A_291 = arith.constant 16 : i32
      %shift_right_arithmetic3A_292 = vector.broadcast %shift_right_arithmetic3A_291 : i32 to vector<16xi32>
      %shift_right_arithmetic3A_293 = arith.shrsi %get3A_281, %shift_right_arithmetic3A_292 : vector<16xi32>
      %swap3A_294 = arith.constant 1 : i32
      %swap3A_295 = arith.index_cast %swap3A_294 : i32 to index
      %swap3A_296 = arith.constant 0 : index
      %swap3A_297 = tpu.vector_load %arg7[%swap3A_295, %swap3A_296] {strides = array<i32>} : memref<2x48xi32, #tpu.memory_space<vmem>>, vector<1x16xi32>,
      %swap3A_298 = vector.shape_cast %swap3A_297 : vector<1x16xi32> to vector<16xi32>
      %swap3A_299 = vector.shape_cast %shift_right_arithmetic3A_293 : vector<16xi32> to vector<1x16xi32>
      tpu.vector_store %arg7[%swap3A_295, %swap3A_296], %swap3A_299 {strides = array<i32>} : memref<2x48xi32, #tpu.memory_space<vmem>>, vector<1x16xi32>,
      %get3A_300 = arith.constant 1 : i32
      %get3A_301 = arith.index_cast %get3A_300 : i32 to index
      %get3A_302 = arith.constant 16 : index
      %get3A_303 = tpu.vector_load %arg5[%get3A_301, %get3A_302] {strides = array<i32>} : memref<216x48xi32, #tpu.memory_space<vmem>>, vector<1x16xi32>,
      %get3A_304 = vector.shape_cast %get3A_303 : vector<1x16xi32> to vector<16xi32>
      %and3A_305 = arith.constant 65535 : i32
      %and3A_306 = vector.broadcast %and3A_305 : i32 to vector<16xi32>
      %and3A_307 = arith.andi %get3A_304, %and3A_306 : vector<16xi32>
      %swap3A_308 = arith.constant 0 : i32
      %swap3A_309 = arith.index_cast %swap3A_308 : i32 to index
      %swap3A_310 = arith.constant 16 : index
      %swap3A_311 = tpu.vector_load %arg7[%swap3A_309, %swap3A_310] {strides = array<i32>} : memref<2x48xi32, #tpu.memory_space<vmem>>, vector<1x16xi32>,
      %swap3A_312 = vector.shape_cast %swap3A_311 : vector<1x16xi32> to vector<16xi32>
      %swap3A_313 = vector.shape_cast %and3A_307 : vector<16xi32> to vector<1x16xi32>
      tpu.vector_store %arg7[%swap3A_309, %swap3A_310], %swap3A_313 {strides = array<i32>} : memref<2x48xi32, #tpu.memory_space<vmem>>, vector<1x16xi32>,
      %shift_right_arithmetic3A_314 = arith.constant 16 : i32
      %shift_right_arithmetic3A_315 = vector.broadcast %shift_right_arithmetic3A_314 : i32 to vector<16xi32>
      %shift_right_arithmetic3A_316 = arith.shrsi %get3A_304, %shift_right_arithmetic3A_315 : vector<16xi32>
      %swap3A_317 = arith.constant 1 : i32
      %swap3A_318 = arith.index_cast %swap3A_317 : i32 to index
      %swap3A_319 = arith.constant 16 : index
      %swap3A_320 = tpu.vector_load %arg7[%swap3A_318, %swap3A_319] {strides = array<i32>} : memref<2x48xi32, #tpu.memory_space<vmem>>, vector<1x16xi32>,
      %swap3A_321 = vector.shape_cast %swap3A_320 : vector<1x16xi32> to vector<16xi32>
      %swap3A_322 = vector.shape_cast %shift_right_arithmetic3A_316 : vector<16xi32> to vector<1x16xi32>
      tpu.vector_store %arg7[%swap3A_318, %swap3A_319], %swap3A_322 {strides = array<i32>} : memref<2x48xi32, #tpu.memory_space<vmem>>, vector<1x16xi32>,
      %get3A_323 = arith.constant 1 : i32
      %get3A_324 = arith.index_cast %get3A_323 : i32 to index
      %get3A_325 = arith.constant 32 : index
      %get3A_326 = tpu.vector_load %arg5[%get3A_324, %get3A_325] {strides = array<i32>} : memref<216x48xi32, #tpu.memory_space<vmem>>, vector<1x16xi32>,
      %get3A_327 = vector.shape_cast %get3A_326 : vector<1x16xi32> to vector<16xi32>
      %and3A_328 = arith.constant 65535 : i32
      %and3A_329 = vector.broadcast %and3A_328 : i32 to vector<16xi32>
      %and3A_330 = arith.andi %get3A_327, %and3A_329 : vector<16xi32>
      %swap3A_331 = arith.constant 0 : i32
      %swap3A_332 = arith.index_cast %swap3A_331 : i32 to index
      %swap3A_333 = arith.constant 32 : index
      %swap3A_334 = tpu.vector_load %arg7[%swap3A_332, %swap3A_333] {strides = array<i32>} : memref<2x48xi32, #tpu.memory_space<vmem>>, vector<1x16xi32>,
      %swap3A_335 = vector.shape_cast %swap3A_334 : vector<1x16xi32> to vector<16xi32>
      %swap3A_336 = vector.shape_cast %and3A_330 : vector<16xi32> to vector<1x16xi32>
      tpu.vector_store %arg7[%swap3A_332, %swap3A_333], %swap3A_336 {strides = array<i32>} : memref<2x48xi32, #tpu.memory_space<vmem>>, vector<1x16xi32>,
      %shift_right_arithmetic3A_337 = arith.constant 16 : i32
      %shift_right_arithmetic3A_338 = vector.broadcast %shift_right_arithmetic3A_337 : i32 to vector<16xi32>
      %shift_right_arithmetic3A_339 = arith.shrsi %get3A_327, %shift_right_arithmetic3A_338 : vector<16xi32>
      %swap3A_340 = arith.constant 1 : i32
      %swap3A_341 = arith.index_cast %swap3A_340 : i32 to index
      %swap3A_342 = arith.constant 32 : index
      %swap3A_343 = tpu.vector_load %arg7[%swap3A_341, %swap3A_342] {strides = array<i32>} : memref<2x48xi32, #tpu.memory_space<vmem>>, vector<1x16xi32>,
      %swap3A_344 = vector.shape_cast %swap3A_343 : vector<1x16xi32> to vector<16xi32>
      %swap3A_345 = vector.shape_cast %shift_right_arithmetic3A_339 : vector<16xi32> to vector<1x16xi32>
      tpu.vector_store %arg7[%swap3A_341, %swap3A_342], %swap3A_345 {strides = array<i32>} : memref<2x48xi32, #tpu.memory_space<vmem>>, vector<1x16xi32>,
      %dma_start3A_346 = arith.constant 0 : i32
      %dma_start3A_347 = arith.constant 0 : i32
      %dma_start3A_348 = tpu.memref_slice %arg7[%dma_start3A_346, %dma_start3A_347] : memref<2x48xi32, #tpu.memory_space<vmem>> -> memref<1x48xi32, #tpu.memory_space<vmem>>
      %dma_start3A_349 = tpu.memref_squeeze %dma_start3A_348 : memref<1x48xi32, #tpu.memory_space<vmem>> -> memref<48xi32, #tpu.memory_space<vmem>>
      %dma_start3A_350 = arith.constant 0 : i32
      %dma_start3A_351 = arith.constant 0 : i32
      %dma_start3A_352 = tpu.memref_slice %arg2[%dma_start3A_350, %dma_start3A_351] : memref<10000x144xf32, #tpu.memory_space<hbm>> -> memref<10000x144xf32, #tpu.memory_space<hbm>>
      tpu.enqueue_indirect_dma source(%dma_start3A_352 : memref<10000x144xf32, #tpu.memory_space<hbm>>) target(%arg10 : memref<48x144xf32, #tpu.memory_space<vmem>>) offsets(%dma_start3A_349 : memref<48xi32, #tpu.memory_space<vmem>>) semaphore(%arg14 : memref<!tpu.dma_semaphore, #tpu.memory_space<semaphore_mem>>)
    } else {
    }
    %eq3A_2 = arith.constant 1 : i32
    %eq3A_3 = arith.cmpi eq, %arg0, %eq3A_2 : i32
    %convert_element_type3A_4 = arith.extui %eq3A_3 : i1 to i32
    %cond3A_5 = arith.constant 0 : i32
    %cond3A_6 = arith.cmpi ne, %convert_element_type3A_4, %cond3A_5 : i32
    scf.if %cond3A_6 {
      %mul3A_203 = arith.constant 201 : i32
      %mul3A_204 = arith.muli %arg1, %mul3A_203 : i32
      %add3A_205 = arith.constant 3456 : i32
      %add3A_206 = arith.addi %add3A_205, %mul3A_204 : i32
      "tpu.region"() ({
        %run_scoped3A = tpu.sem_alloc : memref<!tpu.dma_semaphore, #tpu.memory_space<semaphore_mem>>
        %dma_start3A_355 = arith.constant 0 : i32
        %dma_start3A_356 = arith.constant 0 : i32
        %dma_start3A_357 = tpu.memref_slice %arg5[%dma_start3A_355, %dma_start3A_356] : memref<216x48xi32, #tpu.memory_space<vmem>> -> memref<201x48xi32, #tpu.memory_space<vmem>>
        %dma_start3A_358 = arith.constant 0 : i32
        %dma_start3A_359 = tpu.memref_slice %arg3[%add3A_206, %dma_start3A_358] : memref<6672x48xi32, #tpu.memory_space<hbm>> -> memref<201x48xi32, #tpu.memory_space<hbm>>
        %dma_start3A_360 = arith.constant 0 : i32
        %dma_start3A_361 = arith.constant 0 : i32
        %dma_start3A_362 = tpu.memref_slice %arg5[%dma_start3A_360, %dma_start3A_361] : memref<216x48xi32, #tpu.memory_space<vmem>> -> memref<201x48xi32, #tpu.memory_space<vmem>>
        %dma_start3A_363 = arith.constant 0 : i32
        %dma_start3A_364 = tpu.memref_slice %arg3[%add3A_206, %dma_start3A_363] : memref<6672x48xi32, #tpu.memory_space<hbm>> -> memref<201x48xi32, #tpu.memory_space<hbm>>
        tpu.enqueue_dma source(%dma_start3A_364 : memref<201x48xi32, #tpu.memory_space<hbm>>) target(%dma_start3A_362 : memref<201x48xi32, #tpu.memory_space<vmem>>) target_semaphore(%run_scoped3A : memref<!tpu.dma_semaphore, #tpu.memory_space<semaphore_mem>>)
        %dma_wait3A_365 = arith.constant 0 : i32
        %dma_wait3A_366 = arith.constant 0 : i32
        %dma_wait3A_367 = tpu.memref_slice %arg5[%dma_wait3A_365, %dma_wait3A_366] : memref<216x48xi32, #tpu.memory_space<vmem>> -> memref<201x48xi32, #tpu.memory_space<vmem>>
        %dma_wait3A_368 = arith.constant 0 : i32
        %dma_wait3A_369 = tpu.memref_slice %arg3[%add3A_206, %dma_wait3A_368] : memref<6672x48xi32, #tpu.memory_space<hbm>> -> memref<201x48xi32, #tpu.memory_space<hbm>>
        %dma_wait3A_370 = arith.constant 0 : i32
        %dma_wait3A_371 = arith.constant 0 : i32
        %dma_wait3A_372 = tpu.memref_slice %arg5[%dma_wait3A_370, %dma_wait3A_371] : memref<216x48xi32, #tpu.memory_space<vmem>> -> memref<201x48xi32, #tpu.memory_space<vmem>>
        %dma_wait3A_373 = arith.constant 0 : i32
        %dma_wait3A_374 = tpu.memref_slice %arg3[%add3A_206, %dma_wait3A_373] : memref<6672x48xi32, #tpu.memory_space<hbm>> -> memref<201x48xi32, #tpu.memory_space<hbm>>
        tpu.wait_dma2 semaphore(%run_scoped3A : memref<!tpu.dma_semaphore, #tpu.memory_space<semaphore_mem>>) src(%dma_wait3A_374 : memref<201x48xi32, #tpu.memory_space<hbm>>) dst(%dma_wait3A_372 : memref<201x48xi32, #tpu.memory_space<vmem>>)
        tpu.yield
      }) : () -> ()
      %get3A = arith.constant 0 : i32
      %get3A_207 = arith.index_cast %get3A : i32 to index
      %get3A_208 = arith.constant 0 : index
      %get3A_209 = tpu.vector_load %arg5[%get3A_207, %get3A_208] {strides = array<i32>} : memref<216x48xi32, #tpu.memory_space<vmem>>, vector<1x16xi32>,
      %get3A_210 = vector.shape_cast %get3A_209 : vector<1x16xi32> to vector<16xi32>
      %and3A = arith.constant 65535 : i32
      %and3A_211 = vector.broadcast %and3A : i32 to vector<16xi32>
      %and3A_212 = arith.andi %get3A_210, %and3A_211 : vector<16xi32>
      %swap3A = arith.constant 0 : i32
      %swap3A_213 = arith.index_cast %swap3A : i32 to index
      %swap3A_214 = arith.constant 0 : index
      %swap3A_215 = tpu.vector_load %arg6[%swap3A_213, %swap3A_214] {strides = array<i32>} : memref<2x48xi32, #tpu.memory_space<vmem>>, vector<1x16xi32>,
      %swap3A_216 = vector.shape_cast %swap3A_215 : vector<1x16xi32> to vector<16xi32>
      %swap3A_217 = vector.shape_cast %and3A_212 : vector<16xi32> to vector<1x16xi32>
      tpu.vector_store %arg6[%swap3A_213, %swap3A_214], %swap3A_217 {strides = array<i32>} : memref<2x48xi32, #tpu.memory_space<vmem>>, vector<1x16xi32>,
      %shift_right_arithmetic3A = arith.constant 16 : i32
      %shift_right_arithmetic3A_218 = vector.broadcast %shift_right_arithmetic3A : i32 to vector<16xi32>
      %shift_right_arithmetic3A_219 = arith.shrsi %get3A_210, %shift_right_arithmetic3A_218 : vector<16xi32>
      %swap3A_220 = arith.constant 1 : i32
      %swap3A_221 = arith.index_cast %swap3A_220 : i32 to index
      %swap3A_222 = arith.constant 0 : index
      %swap3A_223 = tpu.vector_load %arg6[%swap3A_221, %swap3A_222] {strides = array<i32>} : memref<2x48xi32, #tpu.memory_space<vmem>>, vector<1x16xi32>,
      %swap3A_224 = vector.shape_cast %swap3A_223 : vector<1x16xi32> to vector<16xi32>
      %swap3A_225 = vector.shape_cast %shift_right_arithmetic3A_219 : vector<16xi32> to vector<1x16xi32>
      tpu.vector_store %arg6[%swap3A_221, %swap3A_222], %swap3A_225 {strides = array<i32>} : memref<2x48xi32, #tpu.memory_space<vmem>>, vector<1x16xi32>,
      %get3A_226 = arith.constant 0 : i32
      %get3A_227 = arith.index_cast %get3A_226 : i32 to index
      %get3A_228 = arith.constant 16 : index
      %get3A_229 = tpu.vector_load %arg5[%get3A_227, %get3A_228] {strides = array<i32>} : memref<216x48xi32, #tpu.memory_space<vmem>>, vector<1x16xi32>,
      %get3A_230 = vector.shape_cast %get3A_229 : vector<1x16xi32> to vector<16xi32>
      %and3A_231 = arith.constant 65535 : i32
      %and3A_232 = vector.broadcast %and3A_231 : i32 to vector<16xi32>
      %and3A_233 = arith.andi %get3A_230, %and3A_232 : vector<16xi32>
      %swap3A_234 = arith.constant 0 : i32
      %swap3A_235 = arith.index_cast %swap3A_234 : i32 to index
      %swap3A_236 = arith.constant 16 : index
      %swap3A_237 = tpu.vector_load %arg6[%swap3A_235, %swap3A_236] {strides = array<i32>} : memref<2x48xi32, #tpu.memory_space<vmem>>, vector<1x16xi32>,
      %swap3A_238 = vector.shape_cast %swap3A_237 : vector<1x16xi32> to vector<16xi32>
      %swap3A_239 = vector.shape_cast %and3A_233 : vector<16xi32> to vector<1x16xi32>
      tpu.vector_store %arg6[%swap3A_235, %swap3A_236], %swap3A_239 {strides = array<i32>} : memref<2x48xi32, #tpu.memory_space<vmem>>, vector<1x16xi32>,
      %shift_right_arithmetic3A_240 = arith.constant 16 : i32
      %shift_right_arithmetic3A_241 = vector.broadcast %shift_right_arithmetic3A_240 : i32 to vector<16xi32>
      %shift_right_arithmetic3A_242 = arith.shrsi %get3A_230, %shift_right_arithmetic3A_241 : vector<16xi32>
      %swap3A_243 = arith.constant 1 : i32
      %swap3A_244 = arith.index_cast %swap3A_243 : i32 to index
      %swap3A_245 = arith.constant 16 : index
      %swap3A_246 = tpu.vector_load %arg6[%swap3A_244, %swap3A_245] {strides = array<i32>} : memref<2x48xi32, #tpu.memory_space<vmem>>, vector<1x16xi32>,
      %swap3A_247 = vector.shape_cast %swap3A_246 : vector<1x16xi32> to vector<16xi32>
      %swap3A_248 = vector.shape_cast %shift_right_arithmetic3A_242 : vector<16xi32> to vector<1x16xi32>
      tpu.vector_store %arg6[%swap3A_244, %swap3A_245], %swap3A_248 {strides = array<i32>} : memref<2x48xi32, #tpu.memory_space<vmem>>, vector<1x16xi32>,
      %get3A_249 = arith.constant 0 : i32
      %get3A_250 = arith.index_cast %get3A_249 : i32 to index
      %get3A_251 = arith.constant 32 : index
      %get3A_252 = tpu.vector_load %arg5[%get3A_250, %get3A_251] {strides = array<i32>} : memref<216x48xi32, #tpu.memory_space<vmem>>, vector<1x16xi32>,
      %get3A_253 = vector.shape_cast %get3A_252 : vector<1x16xi32> to vector<16xi32>
      %and3A_254 = arith.constant 65535 : i32
      %and3A_255 = vector.broadcast %and3A_254 : i32 to vector<16xi32>
      %and3A_256 = arith.andi %get3A_253, %and3A_255 : vector<16xi32>
      %swap3A_257 = arith.constant 0 : i32
      %swap3A_258 = arith.index_cast %swap3A_257 : i32 to index
      %swap3A_259 = arith.constant 32 : index
      %swap3A_260 = tpu.vector_load %arg6[%swap3A_258, %swap3A_259] {strides = array<i32>} : memref<2x48xi32, #tpu.memory_space<vmem>>, vector<1x16xi32>,
      %swap3A_261 = vector.shape_cast %swap3A_260 : vector<1x16xi32> to vector<16xi32>
      %swap3A_262 = vector.shape_cast %and3A_256 : vector<16xi32> to vector<1x16xi32>
      tpu.vector_store %arg6[%swap3A_258, %swap3A_259], %swap3A_262 {strides = array<i32>} : memref<2x48xi32, #tpu.memory_space<vmem>>, vector<1x16xi32>,
      %shift_right_arithmetic3A_263 = arith.constant 16 : i32
      %shift_right_arithmetic3A_264 = vector.broadcast %shift_right_arithmetic3A_263 : i32 to vector<16xi32>
      %shift_right_arithmetic3A_265 = arith.shrsi %get3A_253, %shift_right_arithmetic3A_264 : vector<16xi32>
      %swap3A_266 = arith.constant 1 : i32
      %swap3A_267 = arith.index_cast %swap3A_266 : i32 to index
      %swap3A_268 = arith.constant 32 : index
      %swap3A_269 = tpu.vector_load %arg6[%swap3A_267, %swap3A_268] {strides = array<i32>} : memref<2x48xi32, #tpu.memory_space<vmem>>, vector<1x16xi32>,
      %swap3A_270 = vector.shape_cast %swap3A_269 : vector<1x16xi32> to vector<16xi32>
      %swap3A_271 = vector.shape_cast %shift_right_arithmetic3A_265 : vector<16xi32> to vector<1x16xi32>
      tpu.vector_store %arg6[%swap3A_267, %swap3A_268], %swap3A_271 {strides = array<i32>} : memref<2x48xi32, #tpu.memory_space<vmem>>, vector<1x16xi32>,
      %dma_start3A_272 = arith.constant 0 : i32
      %dma_start3A_273 = arith.constant 0 : i32
      %dma_start3A_274 = tpu.memref_slice %arg6[%dma_start3A_272, %dma_start3A_273] : memref<2x48xi32, #tpu.memory_space<vmem>> -> memref<1x48xi32, #tpu.memory_space<vmem>>
      %dma_start3A_275 = tpu.memref_squeeze %dma_start3A_274 : memref<1x48xi32, #tpu.memory_space<vmem>> -> memref<48xi32, #tpu.memory_space<vmem>>
      %dma_start3A_276 = arith.constant 0 : i32
      %dma_start3A_277 = arith.constant 0 : i32
      %dma_start3A_278 = tpu.memref_slice %arg2[%dma_start3A_276, %dma_start3A_277] : memref<10000x144xf32, #tpu.memory_space<hbm>> -> memref<10000x144xf32, #tpu.memory_space<hbm>>
      tpu.enqueue_indirect_dma source(%dma_start3A_278 : memref<10000x144xf32, #tpu.memory_space<hbm>>) target(%arg9 : memref<48x144xf32, #tpu.memory_space<vmem>>) offsets(%dma_start3A_275 : memref<48xi32, #tpu.memory_space<vmem>>) semaphore(%arg13 : memref<!tpu.dma_semaphore, #tpu.memory_space<semaphore_mem>>)
      %get3A_279 = arith.constant 1 : i32
      %get3A_280 = arith.index_cast %get3A_279 : i32 to index
      %get3A_281 = arith.constant 0 : index
      %get3A_282 = tpu.vector_load %arg5[%get3A_280, %get3A_281] {strides = array<i32>} : memref<216x48xi32, #tpu.memory_space<vmem>>, vector<1x16xi32>,
      %get3A_283 = vector.shape_cast %get3A_282 : vector<1x16xi32> to vector<16xi32>
      %and3A_284 = arith.constant 65535 : i32
      %and3A_285 = vector.broadcast %and3A_284 : i32 to vector<16xi32>
      %and3A_286 = arith.andi %get3A_283, %and3A_285 : vector<16xi32>
      %swap3A_287 = arith.constant 0 : i32
      %swap3A_288 = arith.index_cast %swap3A_287 : i32 to index
      %swap3A_289 = arith.constant 0 : index
      %swap3A_290 = tpu.vector_load %arg7[%swap3A_288, %swap3A_289] {strides = array<i32>} : memref<2x48xi32, #tpu.memory_space<vmem>>, vector<1x16xi32>,
      %swap3A_291 = vector.shape_cast %swap3A_290 : vector<1x16xi32> to vector<16xi32>
      %swap3A_292 = vector.shape_cast %and3A_286 : vector<16xi32> to vector<1x16xi32>
      tpu.vector_store %arg7[%swap3A_288, %swap3A_289], %swap3A_292 {strides = array<i32>} : memref<2x48xi32, #tpu.memory_space<vmem>>, vector<1x16xi32>,
      %shift_right_arithmetic3A_293 = arith.constant 16 : i32
      %shift_right_arithmetic3A_294 = vector.broadcast %shift_right_arithmetic3A_293 : i32 to vector<16xi32>
      %shift_right_arithmetic3A_295 = arith.shrsi %get3A_283, %shift_right_arithmetic3A_294 : vector<16xi32>
      %swap3A_296 = arith.constant 1 : i32
      %swap3A_297 = arith.index_cast %swap3A_296 : i32 to index
      %swap3A_298 = arith.constant 0 : index
      %swap3A_299 = tpu.vector_load %arg7[%swap3A_297, %swap3A_298] {strides = array<i32>} : memref<2x48xi32, #tpu.memory_space<vmem>>, vector<1x16xi32>,
      %swap3A_300 = vector.shape_cast %swap3A_299 : vector<1x16xi32> to vector<16xi32>
      %swap3A_301 = vector.shape_cast %shift_right_arithmetic3A_295 : vector<16xi32> to vector<1x16xi32>
      tpu.vector_store %arg7[%swap3A_297, %swap3A_298], %swap3A_301 {strides = array<i32>} : memref<2x48xi32, #tpu.memory_space<vmem>>, vector<1x16xi32>,
      %get3A_302 = arith.constant 1 : i32
      %get3A_303 = arith.index_cast %get3A_302 : i32 to index
      %get3A_304 = arith.constant 16 : index
      %get3A_305 = tpu.vector_load %arg5[%get3A_303, %get3A_304] {strides = array<i32>} : memref<216x48xi32, #tpu.memory_space<vmem>>, vector<1x16xi32>,
      %get3A_306 = vector.shape_cast %get3A_305 : vector<1x16xi32> to vector<16xi32>
      %and3A_307 = arith.constant 65535 : i32
      %and3A_308 = vector.broadcast %and3A_307 : i32 to vector<16xi32>
      %and3A_309 = arith.andi %get3A_306, %and3A_308 : vector<16xi32>
      %swap3A_310 = arith.constant 0 : i32
      %swap3A_311 = arith.index_cast %swap3A_310 : i32 to index
      %swap3A_312 = arith.constant 16 : index
      %swap3A_313 = tpu.vector_load %arg7[%swap3A_311, %swap3A_312] {strides = array<i32>} : memref<2x48xi32, #tpu.memory_space<vmem>>, vector<1x16xi32>,
      %swap3A_314 = vector.shape_cast %swap3A_313 : vector<1x16xi32> to vector<16xi32>
      %swap3A_315 = vector.shape_cast %and3A_309 : vector<16xi32> to vector<1x16xi32>
      tpu.vector_store %arg7[%swap3A_311, %swap3A_312], %swap3A_315 {strides = array<i32>} : memref<2x48xi32, #tpu.memory_space<vmem>>, vector<1x16xi32>,
      %shift_right_arithmetic3A_316 = arith.constant 16 : i32
      %shift_right_arithmetic3A_317 = vector.broadcast %shift_right_arithmetic3A_316 : i32 to vector<16xi32>
      %shift_right_arithmetic3A_318 = arith.shrsi %get3A_306, %shift_right_arithmetic3A_317 : vector<16xi32>
      %swap3A_319 = arith.constant 1 : i32
      %swap3A_320 = arith.index_cast %swap3A_319 : i32 to index
      %swap3A_321 = arith.constant 16 : index
      %swap3A_322 = tpu.vector_load %arg7[%swap3A_320, %swap3A_321] {strides = array<i32>} : memref<2x48xi32, #tpu.memory_space<vmem>>, vector<1x16xi32>,
      %swap3A_323 = vector.shape_cast %swap3A_322 : vector<1x16xi32> to vector<16xi32>
      %swap3A_324 = vector.shape_cast %shift_right_arithmetic3A_318 : vector<16xi32> to vector<1x16xi32>
      tpu.vector_store %arg7[%swap3A_320, %swap3A_321], %swap3A_324 {strides = array<i32>} : memref<2x48xi32, #tpu.memory_space<vmem>>, vector<1x16xi32>,
      %get3A_325 = arith.constant 1 : i32
      %get3A_326 = arith.index_cast %get3A_325 : i32 to index
      %get3A_327 = arith.constant 32 : index
      %get3A_328 = tpu.vector_load %arg5[%get3A_326, %get3A_327] {strides = array<i32>} : memref<216x48xi32, #tpu.memory_space<vmem>>, vector<1x16xi32>,
      %get3A_329 = vector.shape_cast %get3A_328 : vector<1x16xi32> to vector<16xi32>
      %and3A_330 = arith.constant 65535 : i32
      %and3A_331 = vector.broadcast %and3A_330 : i32 to vector<16xi32>
      %and3A_332 = arith.andi %get3A_329, %and3A_331 : vector<16xi32>
      %swap3A_333 = arith.constant 0 : i32
      %swap3A_334 = arith.index_cast %swap3A_333 : i32 to index
      %swap3A_335 = arith.constant 32 : index
      %swap3A_336 = tpu.vector_load %arg7[%swap3A_334, %swap3A_335] {strides = array<i32>} : memref<2x48xi32, #tpu.memory_space<vmem>>, vector<1x16xi32>,
      %swap3A_337 = vector.shape_cast %swap3A_336 : vector<1x16xi32> to vector<16xi32>
      %swap3A_338 = vector.shape_cast %and3A_332 : vector<16xi32> to vector<1x16xi32>
      tpu.vector_store %arg7[%swap3A_334, %swap3A_335], %swap3A_338 {strides = array<i32>} : memref<2x48xi32, #tpu.memory_space<vmem>>, vector<1x16xi32>,
      %shift_right_arithmetic3A_339 = arith.constant 16 : i32
      %shift_right_arithmetic3A_340 = vector.broadcast %shift_right_arithmetic3A_339 : i32 to vector<16xi32>
      %shift_right_arithmetic3A_341 = arith.shrsi %get3A_329, %shift_right_arithmetic3A_340 : vector<16xi32>
      %swap3A_342 = arith.constant 1 : i32
      %swap3A_343 = arith.index_cast %swap3A_342 : i32 to index
      %swap3A_344 = arith.constant 32 : index
      %swap3A_345 = tpu.vector_load %arg7[%swap3A_343, %swap3A_344] {strides = array<i32>} : memref<2x48xi32, #tpu.memory_space<vmem>>, vector<1x16xi32>,
      %swap3A_346 = vector.shape_cast %swap3A_345 : vector<1x16xi32> to vector<16xi32>
      %swap3A_347 = vector.shape_cast %shift_right_arithmetic3A_341 : vector<16xi32> to vector<1x16xi32>
      tpu.vector_store %arg7[%swap3A_343, %swap3A_344], %swap3A_347 {strides = array<i32>} : memref<2x48xi32, #tpu.memory_space<vmem>>, vector<1x16xi32>,
      %dma_start3A_348 = arith.constant 0 : i32
      %dma_start3A_349 = arith.constant 0 : i32
      %dma_start3A_350 = tpu.memref_slice %arg7[%dma_start3A_348, %dma_start3A_349] : memref<2x48xi32, #tpu.memory_space<vmem>> -> memref<1x48xi32, #tpu.memory_space<vmem>>
      %dma_start3A_351 = tpu.memref_squeeze %dma_start3A_350 : memref<1x48xi32, #tpu.memory_space<vmem>> -> memref<48xi32, #tpu.memory_space<vmem>>
      %dma_start3A_352 = arith.constant 0 : i32
      %dma_start3A_353 = arith.constant 0 : i32
      %dma_start3A_354 = tpu.memref_slice %arg2[%dma_start3A_352, %dma_start3A_353] : memref<10000x144xf32, #tpu.memory_space<hbm>> -> memref<10000x144xf32, #tpu.memory_space<hbm>>
      tpu.enqueue_indirect_dma source(%dma_start3A_354 : memref<10000x144xf32, #tpu.memory_space<hbm>>) target(%arg10 : memref<48x144xf32, #tpu.memory_space<vmem>>) offsets(%dma_start3A_351 : memref<48xi32, #tpu.memory_space<vmem>>) semaphore(%arg14 : memref<!tpu.dma_semaphore, #tpu.memory_space<semaphore_mem>>)
    } else {
    }
    %broadcast_in_dim3A = arith.constant 0.000000e+00 : f32
    %broadcast_in_dim3A_7 = vector.broadcast %broadcast_in_dim3A : f32 to vector<16xf32>
    %scan3A = arith.constant 0 : i32
    %scan3A_8 = arith.constant 0 : i32
    %scan3A_9 = arith.constant 48 : i32
    %scan3A_10 = arith.addi %scan3A_8, %scan3A_9 : i32
    %scan3A_11 = arith.constant 1 : i32
    scf.for %scan3A_203 = %scan3A_8 to %scan3A_10 step %scan3A_11  : i32 {
      %swap3A = arith.index_cast %scan3A_203 : i32 to index
      %swap3A_204 = arith.constant 0 : index
      %swap3A_205 = tpu.vector_load %arg11[%swap3A, %swap3A_204] {strides = array<i32>} : memref<48x144xf32, #tpu.memory_space<vmem>>, vector<1x16xf32>,
      %swap3A_206 = vector.shape_cast %swap3A_205 : vector<1x16xf32> to vector<16xf32>
      %swap3A_207 = vector.shape_cast %broadcast_in_dim3A_7 : vector<16xf32> to vector<1x16xf32>
      tpu.vector_store %arg11[%swap3A, %swap3A_204], %swap3A_207 {strides = array<i32>} : memref<48x144xf32, #tpu.memory_space<vmem>>, vector<1x16xf32>,
      %swap3A_208 = arith.index_cast %scan3A_203 : i32 to index
      %swap3A_209 = arith.constant 16 : index
      %swap3A_210 = tpu.vector_load %arg11[%swap3A_208, %swap3A_209] {strides = array<i32>} : memref<48x144xf32, #tpu.memory_space<vmem>>, vector<1x16xf32>,
      %swap3A_211 = vector.shape_cast %swap3A_210 : vector<1x16xf32> to vector<16xf32>
      %swap3A_212 = vector.shape_cast %broadcast_in_dim3A_7 : vector<16xf32> to vector<1x16xf32>
      tpu.vector_store %arg11[%swap3A_208, %swap3A_209], %swap3A_212 {strides = array<i32>} : memref<48x144xf32, #tpu.memory_space<vmem>>, vector<1x16xf32>,
      %swap3A_213 = arith.index_cast %scan3A_203 : i32 to index
      %swap3A_214 = arith.constant 32 : index
      %swap3A_215 = tpu.vector_load %arg11[%swap3A_213, %swap3A_214] {strides = array<i32>} : memref<48x144xf32, #tpu.memory_space<vmem>>, vector<1x16xf32>,
      %swap3A_216 = vector.shape_cast %swap3A_215 : vector<1x16xf32> to vector<16xf32>
      %swap3A_217 = vector.shape_cast %broadcast_in_dim3A_7 : vector<16xf32> to vector<1x16xf32>
      tpu.vector_store %arg11[%swap3A_213, %swap3A_214], %swap3A_217 {strides = array<i32>} : memref<48x144xf32, #tpu.memory_space<vmem>>, vector<1x16xf32>,
      %swap3A_218 = arith.index_cast %scan3A_203 : i32 to index
      %swap3A_219 = arith.constant 48 : index
      %swap3A_220 = tpu.vector_load %arg11[%swap3A_218, %swap3A_219] {strides = array<i32>} : memref<48x144xf32, #tpu.memory_space<vmem>>, vector<1x16xf32>,
      %swap3A_221 = vector.shape_cast %swap3A_220 : vector<1x16xf32> to vector<16xf32>
      %swap3A_222 = vector.shape_cast %broadcast_in_dim3A_7 : vector<16xf32> to vector<1x16xf32>
      tpu.vector_store %arg11[%swap3A_218, %swap3A_219], %swap3A_222 {strides = array<i32>} : memref<48x144xf32, #tpu.memory_space<vmem>>, vector<1x16xf32>,
      %swap3A_223 = arith.index_cast %scan3A_203 : i32 to index
      %swap3A_224 = arith.constant 64 : index
      %swap3A_225 = tpu.vector_load %arg11[%swap3A_223, %swap3A_224] {strides = array<i32>} : memref<48x144xf32, #tpu.memory_space<vmem>>, vector<1x16xf32>,
      %swap3A_226 = vector.shape_cast %swap3A_225 : vector<1x16xf32> to vector<16xf32>
      %swap3A_227 = vector.shape_cast %broadcast_in_dim3A_7 : vector<16xf32> to vector<1x16xf32>
      tpu.vector_store %arg11[%swap3A_223, %swap3A_224], %swap3A_227 {strides = array<i32>} : memref<48x144xf32, #tpu.memory_space<vmem>>, vector<1x16xf32>,
      %swap3A_228 = arith.index_cast %scan3A_203 : i32 to index
      %swap3A_229 = arith.constant 80 : index
      %swap3A_230 = tpu.vector_load %arg11[%swap3A_228, %swap3A_229] {strides = array<i32>} : memref<48x144xf32, #tpu.memory_space<vmem>>, vector<1x16xf32>,
      %swap3A_231 = vector.shape_cast %swap3A_230 : vector<1x16xf32> to vector<16xf32>
      %swap3A_232 = vector.shape_cast %broadcast_in_dim3A_7 : vector<16xf32> to vector<1x16xf32>
      tpu.vector_store %arg11[%swap3A_228, %swap3A_229], %swap3A_232 {strides = array<i32>} : memref<48x144xf32, #tpu.memory_space<vmem>>, vector<1x16xf32>,
      %swap3A_233 = arith.index_cast %scan3A_203 : i32 to index
      %swap3A_234 = arith.constant 96 : index
      %swap3A_235 = tpu.vector_load %arg11[%swap3A_233, %swap3A_234] {strides = array<i32>} : memref<48x144xf32, #tpu.memory_space<vmem>>, vector<1x16xf32>,
      %swap3A_236 = vector.shape_cast %swap3A_235 : vector<1x16xf32> to vector<16xf32>
      %swap3A_237 = vector.shape_cast %broadcast_in_dim3A_7 : vector<16xf32> to vector<1x16xf32>
      tpu.vector_store %arg11[%swap3A_233, %swap3A_234], %swap3A_237 {strides = array<i32>} : memref<48x144xf32, #tpu.memory_space<vmem>>, vector<1x16xf32>,
      %swap3A_238 = arith.index_cast %scan3A_203 : i32 to index
      %swap3A_239 = arith.constant 112 : index
      %swap3A_240 = tpu.vector_load %arg11[%swap3A_238, %swap3A_239] {strides = array<i32>} : memref<48x144xf32, #tpu.memory_space<vmem>>, vector<1x16xf32>,
      %swap3A_241 = vector.shape_cast %swap3A_240 : vector<1x16xf32> to vector<16xf32>
      %swap3A_242 = vector.shape_cast %broadcast_in_dim3A_7 : vector<16xf32> to vector<1x16xf32>
      tpu.vector_store %arg11[%swap3A_238, %swap3A_239], %swap3A_242 {strides = array<i32>} : memref<48x144xf32, #tpu.memory_space<vmem>>, vector<1x16xf32>,
      %swap3A_243 = arith.index_cast %scan3A_203 : i32 to index
      %swap3A_244 = arith.constant 128 : index
      %swap3A_245 = tpu.vector_load %arg11[%swap3A_243, %swap3A_244] {strides = array<i32>} : memref<48x144xf32, #tpu.memory_space<vmem>>, vector<1x16xf32>,
      %swap3A_246 = vector.shape_cast %swap3A_245 : vector<1x16xf32> to vector<16xf32>
      %swap3A_247 = vector.shape_cast %broadcast_in_dim3A_7 : vector<16xf32> to vector<1x16xf32>
      tpu.vector_store %arg11[%swap3A_243, %swap3A_244], %swap3A_247 {strides = array<i32>} : memref<48x144xf32, #tpu.memory_space<vmem>>, vector<1x16xf32>,
    }
    %scan3A_12 = arith.constant 48 : i32
    %mul3A = arith.constant 640 : i32
    %mul3A_13 = arith.muli %arg1, %mul3A : i32
    %add3A = arith.constant 0 : i32
    %add3A_14 = arith.addi %mul3A_13, %add3A : i32
    %mul3A_15 = arith.constant 640 : i32
    %mul3A_16 = arith.muli %arg1, %mul3A_15 : i32
    %add3A_17 = arith.constant 48 : i32
    %add3A_18 = arith.addi %mul3A_16, %add3A_17 : i32
    %mul3A_19 = arith.constant 640 : i32
    %mul3A_20 = arith.muli %arg1, %mul3A_19 : i32
    %add3A_21 = arith.constant 96 : i32
    %add3A_22 = arith.addi %mul3A_20, %add3A_21 : i32
    %mul3A_23 = arith.constant 640 : i32
    %mul3A_24 = arith.muli %arg1, %mul3A_23 : i32
    %add3A_25 = arith.constant 144 : i32
    %add3A_26 = arith.addi %mul3A_24, %add3A_25 : i32
    %mul3A_27 = arith.constant 640 : i32
    %mul3A_28 = arith.muli %arg1, %mul3A_27 : i32
    %add3A_29 = arith.constant 192 : i32
    %add3A_30 = arith.addi %mul3A_28, %add3A_29 : i32
    %mul3A_31 = arith.constant 640 : i32
    %mul3A_32 = arith.muli %arg1, %mul3A_31 : i32
    %add3A_33 = arith.constant 240 : i32
    %add3A_34 = arith.addi %mul3A_32, %add3A_33 : i32
    %mul3A_35 = arith.constant 640 : i32
    %mul3A_36 = arith.muli %arg1, %mul3A_35 : i32
    %add3A_37 = arith.constant 288 : i32
    %add3A_38 = arith.addi %mul3A_36, %add3A_37 : i32
    %mul3A_39 = arith.constant 640 : i32
    %mul3A_40 = arith.muli %arg1, %mul3A_39 : i32
    %add3A_41 = arith.constant 336 : i32
    %add3A_42 = arith.addi %mul3A_40, %add3A_41 : i32
    %mul3A_43 = arith.constant 640 : i32
    %mul3A_44 = arith.muli %arg1, %mul3A_43 : i32
    %add3A_45 = arith.constant 384 : i32
    %add3A_46 = arith.addi %mul3A_44, %add3A_45 : i32
    %mul3A_47 = arith.constant 640 : i32
    %mul3A_48 = arith.muli %arg1, %mul3A_47 : i32
    %add3A_49 = arith.constant 432 : i32
    %add3A_50 = arith.addi %mul3A_48, %add3A_49 : i32
    %mul3A_51 = arith.constant 640 : i32
    %mul3A_52 = arith.muli %arg1, %mul3A_51 : i32
    %add3A_53 = arith.constant 480 : i32
    %add3A_54 = arith.addi %mul3A_52, %add3A_53 : i32
    %mul3A_55 = arith.constant 640 : i32
    %mul3A_56 = arith.muli %arg1, %mul3A_55 : i32
    %add3A_57 = arith.constant 528 : i32
    %add3A_58 = arith.addi %mul3A_56, %add3A_57 : i32
    %mul3A_59 = arith.constant 640 : i32
    %mul3A_60 = arith.muli %arg1, %mul3A_59 : i32
    %add3A_61 = arith.constant 576 : i32
    %add3A_62 = arith.addi %mul3A_60, %add3A_61 : i32
    %mul3A_63 = arith.constant 640 : i32
    %mul3A_64 = arith.muli %arg1, %mul3A_63 : i32
    %add3A_65 = arith.constant 640 : i32
    %add3A_66 = arith.addi %mul3A_64, %add3A_65 : i32
    %sub3A = arith.constant 16 : i32
    %sub3A_67 = arith.subi %add3A_66, %sub3A : i32
    %dma_start3A = arith.constant 0 : i32
    %dma_start3A_68 = tpu.memref_slice %arg12[%add3A_14, %dma_start3A] : memref<10240x144xf32, #tpu.memory_space<vmem_shared>> -> memref<48x144xf32, #tpu.memory_space<vmem_shared>>
    %dma_start3A_69 = arith.constant 0 : i32
    %dma_start3A_70 = tpu.memref_slice %arg12[%add3A_14, %dma_start3A_69] : memref<10240x144xf32, #tpu.memory_space<vmem_shared>> -> memref<48x144xf32, #tpu.memory_space<vmem_shared>>
    tpu.enqueue_dma source(%arg11 : memref<48x144xf32, #tpu.memory_space<vmem>>) target(%dma_start3A_70 : memref<48x144xf32, #tpu.memory_space<vmem_shared>>) target_semaphore(%arg19 : memref<!tpu.dma_semaphore, #tpu.memory_space<semaphore_mem>>)
    %dma_start3A_71 = arith.constant 0 : i32
    %dma_start3A_72 = tpu.memref_slice %arg12[%add3A_18, %dma_start3A_71] : memref<10240x144xf32, #tpu.memory_space<vmem_shared>> -> memref<48x144xf32, #tpu.memory_space<vmem_shared>>
    %dma_start3A_73 = arith.constant 0 : i32
    %dma_start3A_74 = tpu.memref_slice %arg12[%add3A_18, %dma_start3A_73] : memref<10240x144xf32, #tpu.memory_space<vmem_shared>> -> memref<48x144xf32, #tpu.memory_space<vmem_shared>>
    tpu.enqueue_dma source(%arg11 : memref<48x144xf32, #tpu.memory_space<vmem>>) target(%dma_start3A_74 : memref<48x144xf32, #tpu.memory_space<vmem_shared>>) target_semaphore(%arg19 : memref<!tpu.dma_semaphore, #tpu.memory_space<semaphore_mem>>)
    %dma_start3A_75 = arith.constant 0 : i32
    %dma_start3A_76 = tpu.memref_slice %arg12[%add3A_22, %dma_start3A_75] : memref<10240x144xf32, #tpu.memory_space<vmem_shared>> -> memref<48x144xf32, #tpu.memory_space<vmem_shared>>
    %dma_start3A_77 = arith.constant 0 : i32
    %dma_start3A_78 = tpu.memref_slice %arg12[%add3A_22, %dma_start3A_77] : memref<10240x144xf32, #tpu.memory_space<vmem_shared>> -> memref<48x144xf32, #tpu.memory_space<vmem_shared>>
    tpu.enqueue_dma source(%arg11 : memref<48x144xf32, #tpu.memory_space<vmem>>) target(%dma_start3A_78 : memref<48x144xf32, #tpu.memory_space<vmem_shared>>) target_semaphore(%arg19 : memref<!tpu.dma_semaphore, #tpu.memory_space<semaphore_mem>>)
    %dma_start3A_79 = arith.constant 0 : i32
    %dma_start3A_80 = tpu.memref_slice %arg12[%add3A_26, %dma_start3A_79] : memref<10240x144xf32, #tpu.memory_space<vmem_shared>> -> memref<48x144xf32, #tpu.memory_space<vmem_shared>>
    %dma_start3A_81 = arith.constant 0 : i32
    %dma_start3A_82 = tpu.memref_slice %arg12[%add3A_26, %dma_start3A_81] : memref<10240x144xf32, #tpu.memory_space<vmem_shared>> -> memref<48x144xf32, #tpu.memory_space<vmem_shared>>
    tpu.enqueue_dma source(%arg11 : memref<48x144xf32, #tpu.memory_space<vmem>>) target(%dma_start3A_82 : memref<48x144xf32, #tpu.memory_space<vmem_shared>>) target_semaphore(%arg19 : memref<!tpu.dma_semaphore, #tpu.memory_space<semaphore_mem>>)
    %dma_start3A_83 = arith.constant 0 : i32
    %dma_start3A_84 = tpu.memref_slice %arg12[%add3A_30, %dma_start3A_83] : memref<10240x144xf32, #tpu.memory_space<vmem_shared>> -> memref<48x144xf32, #tpu.memory_space<vmem_shared>>
    %dma_start3A_85 = arith.constant 0 : i32
    %dma_start3A_86 = tpu.memref_slice %arg12[%add3A_30, %dma_start3A_85] : memref<10240x144xf32, #tpu.memory_space<vmem_shared>> -> memref<48x144xf32, #tpu.memory_space<vmem_shared>>
    tpu.enqueue_dma source(%arg11 : memref<48x144xf32, #tpu.memory_space<vmem>>) target(%dma_start3A_86 : memref<48x144xf32, #tpu.memory_space<vmem_shared>>) target_semaphore(%arg19 : memref<!tpu.dma_semaphore, #tpu.memory_space<semaphore_mem>>)
    %dma_start3A_87 = arith.constant 0 : i32
    %dma_start3A_88 = tpu.memref_slice %arg12[%add3A_34, %dma_start3A_87] : memref<10240x144xf32, #tpu.memory_space<vmem_shared>> -> memref<48x144xf32, #tpu.memory_space<vmem_shared>>
    %dma_start3A_89 = arith.constant 0 : i32
    %dma_start3A_90 = tpu.memref_slice %arg12[%add3A_34, %dma_start3A_89] : memref<10240x144xf32, #tpu.memory_space<vmem_shared>> -> memref<48x144xf32, #tpu.memory_space<vmem_shared>>
    tpu.enqueue_dma source(%arg11 : memref<48x144xf32, #tpu.memory_space<vmem>>) target(%dma_start3A_90 : memref<48x144xf32, #tpu.memory_space<vmem_shared>>) target_semaphore(%arg19 : memref<!tpu.dma_semaphore, #tpu.memory_space<semaphore_mem>>)
    %dma_start3A_91 = arith.constant 0 : i32
    %dma_start3A_92 = tpu.memref_slice %arg12[%add3A_38, %dma_start3A_91] : memref<10240x144xf32, #tpu.memory_space<vmem_shared>> -> memref<48x144xf32, #tpu.memory_space<vmem_shared>>
    %dma_start3A_93 = arith.constant 0 : i32
    %dma_start3A_94 = tpu.memref_slice %arg12[%add3A_38, %dma_start3A_93] : memref<10240x144xf32, #tpu.memory_space<vmem_shared>> -> memref<48x144xf32, #tpu.memory_space<vmem_shared>>
    tpu.enqueue_dma source(%arg11 : memref<48x144xf32, #tpu.memory_space<vmem>>) target(%dma_start3A_94 : memref<48x144xf32, #tpu.memory_space<vmem_shared>>) target_semaphore(%arg19 : memref<!tpu.dma_semaphore, #tpu.memory_space<semaphore_mem>>)
    %dma_start3A_95 = arith.constant 0 : i32
    %dma_start3A_96 = tpu.memref_slice %arg12[%add3A_42, %dma_start3A_95] : memref<10240x144xf32, #tpu.memory_space<vmem_shared>> -> memref<48x144xf32, #tpu.memory_space<vmem_shared>>
    %dma_start3A_97 = arith.constant 0 : i32
    %dma_start3A_98 = tpu.memref_slice %arg12[%add3A_42, %dma_start3A_97] : memref<10240x144xf32, #tpu.memory_space<vmem_shared>> -> memref<48x144xf32, #tpu.memory_space<vmem_shared>>
    tpu.enqueue_dma source(%arg11 : memref<48x144xf32, #tpu.memory_space<vmem>>) target(%dma_start3A_98 : memref<48x144xf32, #tpu.memory_space<vmem_shared>>) target_semaphore(%arg19 : memref<!tpu.dma_semaphore, #tpu.memory_space<semaphore_mem>>)
    %dma_start3A_99 = arith.constant 0 : i32
    %dma_start3A_100 = tpu.memref_slice %arg12[%add3A_46, %dma_start3A_99] : memref<10240x144xf32, #tpu.memory_space<vmem_shared>> -> memref<48x144xf32, #tpu.memory_space<vmem_shared>>
    %dma_start3A_101 = arith.constant 0 : i32
    %dma_start3A_102 = tpu.memref_slice %arg12[%add3A_46, %dma_start3A_101] : memref<10240x144xf32, #tpu.memory_space<vmem_shared>> -> memref<48x144xf32, #tpu.memory_space<vmem_shared>>
    tpu.enqueue_dma source(%arg11 : memref<48x144xf32, #tpu.memory_space<vmem>>) target(%dma_start3A_102 : memref<48x144xf32, #tpu.memory_space<vmem_shared>>) target_semaphore(%arg19 : memref<!tpu.dma_semaphore, #tpu.memory_space<semaphore_mem>>)
    %dma_start3A_103 = arith.constant 0 : i32
    %dma_start3A_104 = tpu.memref_slice %arg12[%add3A_50, %dma_start3A_103] : memref<10240x144xf32, #tpu.memory_space<vmem_shared>> -> memref<48x144xf32, #tpu.memory_space<vmem_shared>>
    %dma_start3A_105 = arith.constant 0 : i32
    %dma_start3A_106 = tpu.memref_slice %arg12[%add3A_50, %dma_start3A_105] : memref<10240x144xf32, #tpu.memory_space<vmem_shared>> -> memref<48x144xf32, #tpu.memory_space<vmem_shared>>
    tpu.enqueue_dma source(%arg11 : memref<48x144xf32, #tpu.memory_space<vmem>>) target(%dma_start3A_106 : memref<48x144xf32, #tpu.memory_space<vmem_shared>>) target_semaphore(%arg19 : memref<!tpu.dma_semaphore, #tpu.memory_space<semaphore_mem>>)
    %dma_start3A_107 = arith.constant 0 : i32
    %dma_start3A_108 = tpu.memref_slice %arg12[%add3A_54, %dma_start3A_107] : memref<10240x144xf32, #tpu.memory_space<vmem_shared>> -> memref<48x144xf32, #tpu.memory_space<vmem_shared>>
    %dma_start3A_109 = arith.constant 0 : i32
    %dma_start3A_110 = tpu.memref_slice %arg12[%add3A_54, %dma_start3A_109] : memref<10240x144xf32, #tpu.memory_space<vmem_shared>> -> memref<48x144xf32, #tpu.memory_space<vmem_shared>>
    tpu.enqueue_dma source(%arg11 : memref<48x144xf32, #tpu.memory_space<vmem>>) target(%dma_start3A_110 : memref<48x144xf32, #tpu.memory_space<vmem_shared>>) target_semaphore(%arg19 : memref<!tpu.dma_semaphore, #tpu.memory_space<semaphore_mem>>)
    %dma_start3A_111 = arith.constant 0 : i32
    %dma_start3A_112 = tpu.memref_slice %arg12[%add3A_58, %dma_start3A_111] : memref<10240x144xf32, #tpu.memory_space<vmem_shared>> -> memref<48x144xf32, #tpu.memory_space<vmem_shared>>
    %dma_start3A_113 = arith.constant 0 : i32
    %dma_start3A_114 = tpu.memref_slice %arg12[%add3A_58, %dma_start3A_113] : memref<10240x144xf32, #tpu.memory_space<vmem_shared>> -> memref<48x144xf32, #tpu.memory_space<vmem_shared>>
    tpu.enqueue_dma source(%arg11 : memref<48x144xf32, #tpu.memory_space<vmem>>) target(%dma_start3A_114 : memref<48x144xf32, #tpu.memory_space<vmem_shared>>) target_semaphore(%arg19 : memref<!tpu.dma_semaphore, #tpu.memory_space<semaphore_mem>>)
    %dma_start3A_115 = arith.constant 0 : i32
    %dma_start3A_116 = tpu.memref_slice %arg12[%add3A_62, %dma_start3A_115] : memref<10240x144xf32, #tpu.memory_space<vmem_shared>> -> memref<48x144xf32, #tpu.memory_space<vmem_shared>>
    %dma_start3A_117 = arith.constant 0 : i32
    %dma_start3A_118 = tpu.memref_slice %arg12[%add3A_62, %dma_start3A_117] : memref<10240x144xf32, #tpu.memory_space<vmem_shared>> -> memref<48x144xf32, #tpu.memory_space<vmem_shared>>
    tpu.enqueue_dma source(%arg11 : memref<48x144xf32, #tpu.memory_space<vmem>>) target(%dma_start3A_118 : memref<48x144xf32, #tpu.memory_space<vmem_shared>>) target_semaphore(%arg19 : memref<!tpu.dma_semaphore, #tpu.memory_space<semaphore_mem>>)
    %dma_start3A_119 = arith.constant 0 : i32
    %dma_start3A_120 = arith.constant 0 : i32
    %dma_start3A_121 = tpu.memref_slice %arg11[%dma_start3A_119, %dma_start3A_120] : memref<48x144xf32, #tpu.memory_space<vmem>> -> memref<16x144xf32, #tpu.memory_space<vmem>>
    %dma_start3A_122 = arith.constant 0 : i32
    %dma_start3A_123 = tpu.memref_slice %arg12[%sub3A_67, %dma_start3A_122] : memref<10240x144xf32, #tpu.memory_space<vmem_shared>> -> memref<16x144xf32, #tpu.memory_space<vmem_shared>>
    %dma_start3A_124 = arith.constant 0 : i32
    %dma_start3A_125 = tpu.memref_slice %arg12[%sub3A_67, %dma_start3A_124] : memref<10240x144xf32, #tpu.memory_space<vmem_shared>> -> memref<16x144xf32, #tpu.memory_space<vmem_shared>>
    %dma_start3A_126 = arith.constant 0 : i32
    %dma_start3A_127 = arith.constant 0 : i32
    %dma_start3A_128 = tpu.memref_slice %arg11[%dma_start3A_126, %dma_start3A_127] : memref<48x144xf32, #tpu.memory_space<vmem>> -> memref<16x144xf32, #tpu.memory_space<vmem>>
    tpu.enqueue_dma source(%dma_start3A_128 : memref<16x144xf32, #tpu.memory_space<vmem>>) target(%dma_start3A_125 : memref<16x144xf32, #tpu.memory_space<vmem_shared>>) target_semaphore(%arg19 : memref<!tpu.dma_semaphore, #tpu.memory_space<semaphore_mem>>)
    %dma_wait3A = arith.constant 0 : i32
    %dma_wait3A_129 = tpu.memref_slice %arg12[%add3A_14, %dma_wait3A] : memref<10240x144xf32, #tpu.memory_space<vmem_shared>> -> memref<48x144xf32, #tpu.memory_space<vmem_shared>>
    %dma_wait3A_130 = arith.constant 0 : i32
    %dma_wait3A_131 = tpu.memref_slice %arg12[%add3A_14, %dma_wait3A_130] : memref<10240x144xf32, #tpu.memory_space<vmem_shared>> -> memref<48x144xf32, #tpu.memory_space<vmem_shared>>
    tpu.wait_dma2 semaphore(%arg19 : memref<!tpu.dma_semaphore, #tpu.memory_space<semaphore_mem>>) src(%arg11 : memref<48x144xf32, #tpu.memory_space<vmem>>) dst(%dma_wait3A_131 : memref<48x144xf32, #tpu.memory_space<vmem_shared>>)
    %dma_wait3A_132 = arith.constant 0 : i32
    %dma_wait3A_133 = tpu.memref_slice %arg12[%add3A_18, %dma_wait3A_132] : memref<10240x144xf32, #tpu.memory_space<vmem_shared>> -> memref<48x144xf32, #tpu.memory_space<vmem_shared>>
    %dma_wait3A_134 = arith.constant 0 : i32
    %dma_wait3A_135 = tpu.memref_slice %arg12[%add3A_18, %dma_wait3A_134] : memref<10240x144xf32, #tpu.memory_space<vmem_shared>> -> memref<48x144xf32, #tpu.memory_space<vmem_shared>>
    tpu.wait_dma2 semaphore(%arg19 : memref<!tpu.dma_semaphore, #tpu.memory_space<semaphore_mem>>) src(%arg11 : memref<48x144xf32, #tpu.memory_space<vmem>>) dst(%dma_wait3A_135 : memref<48x144xf32, #tpu.memory_space<vmem_shared>>)
    %dma_wait3A_136 = arith.constant 0 : i32
    %dma_wait3A_137 = tpu.memref_slice %arg12[%add3A_22, %dma_wait3A_136] : memref<10240x144xf32, #tpu.memory_space<vmem_shared>> -> memref<48x144xf32, #tpu.memory_space<vmem_shared>>
    %dma_wait3A_138 = arith.constant 0 : i32
    %dma_wait3A_139 = tpu.memref_slice %arg12[%add3A_22, %dma_wait3A_138] : memref<10240x144xf32, #tpu.memory_space<vmem_shared>> -> memref<48x144xf32, #tpu.memory_space<vmem_shared>>
    tpu.wait_dma2 semaphore(%arg19 : memref<!tpu.dma_semaphore, #tpu.memory_space<semaphore_mem>>) src(%arg11 : memref<48x144xf32, #tpu.memory_space<vmem>>) dst(%dma_wait3A_139 : memref<48x144xf32, #tpu.memory_space<vmem_shared>>)
    %dma_wait3A_140 = arith.constant 0 : i32
    %dma_wait3A_141 = tpu.memref_slice %arg12[%add3A_26, %dma_wait3A_140] : memref<10240x144xf32, #tpu.memory_space<vmem_shared>> -> memref<48x144xf32, #tpu.memory_space<vmem_shared>>
    %dma_wait3A_142 = arith.constant 0 : i32
    %dma_wait3A_143 = tpu.memref_slice %arg12[%add3A_26, %dma_wait3A_142] : memref<10240x144xf32, #tpu.memory_space<vmem_shared>> -> memref<48x144xf32, #tpu.memory_space<vmem_shared>>
    tpu.wait_dma2 semaphore(%arg19 : memref<!tpu.dma_semaphore, #tpu.memory_space<semaphore_mem>>) src(%arg11 : memref<48x144xf32, #tpu.memory_space<vmem>>) dst(%dma_wait3A_143 : memref<48x144xf32, #tpu.memory_space<vmem_shared>>)
    %dma_wait3A_144 = arith.constant 0 : i32
    %dma_wait3A_145 = tpu.memref_slice %arg12[%add3A_30, %dma_wait3A_144] : memref<10240x144xf32, #tpu.memory_space<vmem_shared>> -> memref<48x144xf32, #tpu.memory_space<vmem_shared>>
    %dma_wait3A_146 = arith.constant 0 : i32
    %dma_wait3A_147 = tpu.memref_slice %arg12[%add3A_30, %dma_wait3A_146] : memref<10240x144xf32, #tpu.memory_space<vmem_shared>> -> memref<48x144xf32, #tpu.memory_space<vmem_shared>>
    tpu.wait_dma2 semaphore(%arg19 : memref<!tpu.dma_semaphore, #tpu.memory_space<semaphore_mem>>) src(%arg11 : memref<48x144xf32, #tpu.memory_space<vmem>>) dst(%dma_wait3A_147 : memref<48x144xf32, #tpu.memory_space<vmem_shared>>)
    %dma_wait3A_148 = arith.constant 0 : i32
    %dma_wait3A_149 = tpu.memref_slice %arg12[%add3A_34, %dma_wait3A_148] : memref<10240x144xf32, #tpu.memory_space<vmem_shared>> -> memref<48x144xf32, #tpu.memory_space<vmem_shared>>
    %dma_wait3A_150 = arith.constant 0 : i32
    %dma_wait3A_151 = tpu.memref_slice %arg12[%add3A_34, %dma_wait3A_150] : memref<10240x144xf32, #tpu.memory_space<vmem_shared>> -> memref<48x144xf32, #tpu.memory_space<vmem_shared>>
    tpu.wait_dma2 semaphore(%arg19 : memref<!tpu.dma_semaphore, #tpu.memory_space<semaphore_mem>>) src(%arg11 : memref<48x144xf32, #tpu.memory_space<vmem>>) dst(%dma_wait3A_151 : memref<48x144xf32, #tpu.memory_space<vmem_shared>>)
    %dma_wait3A_152 = arith.constant 0 : i32
    %dma_wait3A_153 = tpu.memref_slice %arg12[%add3A_38, %dma_wait3A_152] : memref<10240x144xf32, #tpu.memory_space<vmem_shared>> -> memref<48x144xf32, #tpu.memory_space<vmem_shared>>
    %dma_wait3A_154 = arith.constant 0 : i32
    %dma_wait3A_155 = tpu.memref_slice %arg12[%add3A_38, %dma_wait3A_154] : memref<10240x144xf32, #tpu.memory_space<vmem_shared>> -> memref<48x144xf32, #tpu.memory_space<vmem_shared>>
    tpu.wait_dma2 semaphore(%arg19 : memref<!tpu.dma_semaphore, #tpu.memory_space<semaphore_mem>>) src(%arg11 : memref<48x144xf32, #tpu.memory_space<vmem>>) dst(%dma_wait3A_155 : memref<48x144xf32, #tpu.memory_space<vmem_shared>>)
    %dma_wait3A_156 = arith.constant 0 : i32
    %dma_wait3A_157 = tpu.memref_slice %arg12[%add3A_42, %dma_wait3A_156] : memref<10240x144xf32, #tpu.memory_space<vmem_shared>> -> memref<48x144xf32, #tpu.memory_space<vmem_shared>>
    %dma_wait3A_158 = arith.constant 0 : i32
    %dma_wait3A_159 = tpu.memref_slice %arg12[%add3A_42, %dma_wait3A_158] : memref<10240x144xf32, #tpu.memory_space<vmem_shared>> -> memref<48x144xf32, #tpu.memory_space<vmem_shared>>
    tpu.wait_dma2 semaphore(%arg19 : memref<!tpu.dma_semaphore, #tpu.memory_space<semaphore_mem>>) src(%arg11 : memref<48x144xf32, #tpu.memory_space<vmem>>) dst(%dma_wait3A_159 : memref<48x144xf32, #tpu.memory_space<vmem_shared>>)
    %dma_wait3A_160 = arith.constant 0 : i32
    %dma_wait3A_161 = tpu.memref_slice %arg12[%add3A_46, %dma_wait3A_160] : memref<10240x144xf32, #tpu.memory_space<vmem_shared>> -> memref<48x144xf32, #tpu.memory_space<vmem_shared>>
    %dma_wait3A_162 = arith.constant 0 : i32
    %dma_wait3A_163 = tpu.memref_slice %arg12[%add3A_46, %dma_wait3A_162] : memref<10240x144xf32, #tpu.memory_space<vmem_shared>> -> memref<48x144xf32, #tpu.memory_space<vmem_shared>>
    tpu.wait_dma2 semaphore(%arg19 : memref<!tpu.dma_semaphore, #tpu.memory_space<semaphore_mem>>) src(%arg11 : memref<48x144xf32, #tpu.memory_space<vmem>>) dst(%dma_wait3A_163 : memref<48x144xf32, #tpu.memory_space<vmem_shared>>)
    %dma_wait3A_164 = arith.constant 0 : i32
    %dma_wait3A_165 = tpu.memref_slice %arg12[%add3A_50, %dma_wait3A_164] : memref<10240x144xf32, #tpu.memory_space<vmem_shared>> -> memref<48x144xf32, #tpu.memory_space<vmem_shared>>
    %dma_wait3A_166 = arith.constant 0 : i32
    %dma_wait3A_167 = tpu.memref_slice %arg12[%add3A_50, %dma_wait3A_166] : memref<10240x144xf32, #tpu.memory_space<vmem_shared>> -> memref<48x144xf32, #tpu.memory_space<vmem_shared>>
    tpu.wait_dma2 semaphore(%arg19 : memref<!tpu.dma_semaphore, #tpu.memory_space<semaphore_mem>>) src(%arg11 : memref<48x144xf32, #tpu.memory_space<vmem>>) dst(%dma_wait3A_167 : memref<48x144xf32, #tpu.memory_space<vmem_shared>>)
    %dma_wait3A_168 = arith.constant 0 : i32
    %dma_wait3A_169 = tpu.memref_slice %arg12[%add3A_54, %dma_wait3A_168] : memref<10240x144xf32, #tpu.memory_space<vmem_shared>> -> memref<48x144xf32, #tpu.memory_space<vmem_shared>>
    %dma_wait3A_170 = arith.constant 0 : i32
    %dma_wait3A_171 = tpu.memref_slice %arg12[%add3A_54, %dma_wait3A_170] : memref<10240x144xf32, #tpu.memory_space<vmem_shared>> -> memref<48x144xf32, #tpu.memory_space<vmem_shared>>
    tpu.wait_dma2 semaphore(%arg19 : memref<!tpu.dma_semaphore, #tpu.memory_space<semaphore_mem>>) src(%arg11 : memref<48x144xf32, #tpu.memory_space<vmem>>) dst(%dma_wait3A_171 : memref<48x144xf32, #tpu.memory_space<vmem_shared>>)
    %dma_wait3A_172 = arith.constant 0 : i32
    %dma_wait3A_173 = tpu.memref_slice %arg12[%add3A_58, %dma_wait3A_172] : memref<10240x144xf32, #tpu.memory_space<vmem_shared>> -> memref<48x144xf32, #tpu.memory_space<vmem_shared>>
    %dma_wait3A_174 = arith.constant 0 : i32
    %dma_wait3A_175 = tpu.memref_slice %arg12[%add3A_58, %dma_wait3A_174] : memref<10240x144xf32, #tpu.memory_space<vmem_shared>> -> memref<48x144xf32, #tpu.memory_space<vmem_shared>>
    tpu.wait_dma2 semaphore(%arg19 : memref<!tpu.dma_semaphore, #tpu.memory_space<semaphore_mem>>) src(%arg11 : memref<48x144xf32, #tpu.memory_space<vmem>>) dst(%dma_wait3A_175 : memref<48x144xf32, #tpu.memory_space<vmem_shared>>)
    %dma_wait3A_176 = arith.constant 0 : i32
    %dma_wait3A_177 = tpu.memref_slice %arg12[%add3A_62, %dma_wait3A_176] : memref<10240x144xf32, #tpu.memory_space<vmem_shared>> -> memref<48x144xf32, #tpu.memory_space<vmem_shared>>
    %dma_wait3A_178 = arith.constant 0 : i32
    %dma_wait3A_179 = tpu.memref_slice %arg12[%add3A_62, %dma_wait3A_178] : memref<10240x144xf32, #tpu.memory_space<vmem_shared>> -> memref<48x144xf32, #tpu.memory_space<vmem_shared>>
    tpu.wait_dma2 semaphore(%arg19 : memref<!tpu.dma_semaphore, #tpu.memory_space<semaphore_mem>>) src(%arg11 : memref<48x144xf32, #tpu.memory_space<vmem>>) dst(%dma_wait3A_179 : memref<48x144xf32, #tpu.memory_space<vmem_shared>>)
    %dma_wait3A_180 = arith.constant 0 : i32
    %dma_wait3A_181 = arith.constant 0 : i32
    %dma_wait3A_182 = tpu.memref_slice %arg11[%dma_wait3A_180, %dma_wait3A_181] : memref<48x144xf32, #tpu.memory_space<vmem>> -> memref<16x144xf32, #tpu.memory_space<vmem>>
    %dma_wait3A_183 = arith.constant 0 : i32
    %dma_wait3A_184 = tpu.memref_slice %arg12[%sub3A_67, %dma_wait3A_183] : memref<10240x144xf32, #tpu.memory_space<vmem_shared>> -> memref<16x144xf32, #tpu.memory_space<vmem_shared>>
    %dma_wait3A_185 = arith.constant 0 : i32
    %dma_wait3A_186 = tpu.memref_slice %arg12[%sub3A_67, %dma_wait3A_185] : memref<10240x144xf32, #tpu.memory_space<vmem_shared>> -> memref<16x144xf32, #tpu.memory_space<vmem_shared>>
    %dma_wait3A_187 = arith.constant 0 : i32
    %dma_wait3A_188 = arith.constant 0 : i32
    %dma_wait3A_189 = tpu.memref_slice %arg11[%dma_wait3A_187, %dma_wait3A_188] : memref<48x144xf32, #tpu.memory_space<vmem>> -> memref<16x144xf32, #tpu.memory_space<vmem>>
    tpu.wait_dma2 semaphore(%arg19 : memref<!tpu.dma_semaphore, #tpu.memory_space<semaphore_mem>>) src(%dma_wait3A_189 : memref<16x144xf32, #tpu.memory_space<vmem>>) dst(%dma_wait3A_186 : memref<16x144xf32, #tpu.memory_space<vmem_shared>>)
    %barrier3A = arith.constant 0 : index
    tpu.barrier barrier_id(%barrier3A)
    %eq3A_190 = arith.constant 0 : i32
    %eq3A_191 = arith.cmpi eq, %arg0, %eq3A_190 : i32
    %convert_element_type3A_192 = arith.extui %eq3A_191 : i1 to i32
    %cond3A_193 = arith.constant 0 : i32
    %cond3A_194 = arith.cmpi ne, %convert_element_type3A_192, %cond3A_193 : i32
    scf.if %cond3A_194 {
      %scan3A_203 = arith.constant 0 : i32
      %scan3A_204 = arith.constant 0 : i32
      %scan3A_205 = arith.constant 72 : i32
      %scan3A_206 = arith.addi %scan3A_204, %scan3A_205 : i32
      %scan3A_207 = arith.constant 1 : i32
      scf.for %scan3A_230 = %scan3A_204 to %scan3A_206 step %scan3A_207  : i32 {
        %mul3A_231 = arith.constant 3 : i32
        %mul3A_232 = arith.muli %scan3A_230, %mul3A_231 : i32
        %add3A_233 = arith.constant 0 : i32
        %add3A_234 = arith.addi %mul3A_232, %add3A_233 : i32
        %dma_wait3A_235 = arith.constant 0 : i32
        %dma_wait3A_236 = arith.constant 0 : i32
        %dma_wait3A_237 = tpu.memref_slice %arg6[%dma_wait3A_235, %dma_wait3A_236] : memref<2x48xi32, #tpu.memory_space<vmem>> -> memref<1x48xi32, #tpu.memory_space<vmem>>
        %dma_wait3A_238 = tpu.memref_squeeze %dma_wait3A_237 : memref<1x48xi32, #tpu.memory_space<vmem>> -> memref<48xi32, #tpu.memory_space<vmem>>
        %dma_wait3A_239 = arith.constant 0 : i32
        %dma_wait3A_240 = arith.constant 0 : i32
        %dma_wait3A_241 = tpu.memref_slice %arg2[%dma_wait3A_239, %dma_wait3A_240] : memref<10000x144xf32, #tpu.memory_space<hbm>> -> memref<10000x144xf32, #tpu.memory_space<hbm>>
        tpu.wait_indirect_dma semaphore(%arg13 : memref<!tpu.dma_semaphore, #tpu.memory_space<semaphore_mem>>) src(%dma_wait3A_241 : memref<10000x144xf32, #tpu.memory_space<hbm>>) dst(%arg9 : memref<48x144xf32, #tpu.memory_space<vmem>>)
        %dma_start3A_242 = arith.constant 1 : i32
        %dma_start3A_243 = arith.constant 0 : i32
        %dma_start3A_244 = tpu.memref_slice %arg6[%dma_start3A_242, %dma_start3A_243] : memref<2x48xi32, #tpu.memory_space<vmem>> -> memref<1x48xi32, #tpu.memory_space<vmem>>
        %dma_start3A_245 = tpu.memref_squeeze %dma_start3A_244 : memref<1x48xi32, #tpu.memory_space<vmem>> -> memref<48xi32, #tpu.memory_space<vmem>>
        %dma_start3A_246 = arith.constant 0 : i32
        %dma_start3A_247 = arith.constant 0 : i32
        %dma_start3A_248 = tpu.memref_slice %arg12[%dma_start3A_246, %dma_start3A_247] : memref<10240x144xf32, #tpu.memory_space<vmem_shared>> -> memref<10240x144xf32, #tpu.memory_space<vmem_shared>>
        tpu.enqueue_indirect_dma source(%arg9 : memref<48x144xf32, #tpu.memory_space<vmem>>) target(%dma_start3A_248 : memref<10240x144xf32, #tpu.memory_space<vmem_shared>>) offsets(%dma_start3A_245 : memref<48xi32, #tpu.memory_space<vmem>>) semaphore(%arg16 : memref<!tpu.dma_semaphore, #tpu.memory_space<semaphore_mem>>) {add = true}
        %add3A_249 = arith.constant 2 : i32
        %add3A_250 = arith.addi %add3A_234, %add3A_249 : i32
        %lt3A = arith.constant 216 : i32
        %lt3A_251 = arith.cmpi slt, %add3A_250, %lt3A : i32
        %convert_element_type3A_252 = arith.extui %lt3A_251 : i1 to i32
        %cond3A_253 = arith.constant 0 : i32
        %cond3A_254 = arith.cmpi ne, %convert_element_type3A_252, %cond3A_253 : i32
        scf.if %cond3A_254 {
          %ge3A = arith.constant 1 : i32
          %ge3A_305 = arith.cmpi sge, %add3A_234, %ge3A : i32
          %convert_element_type3A_306 = arith.extui %ge3A_305 : i1 to i32
          %cond3A_307 = arith.constant 0 : i32
          %cond3A_308 = arith.cmpi ne, %convert_element_type3A_306, %cond3A_307 : i32
          scf.if %cond3A_308 {
            %sub3A_382 = arith.constant 1 : i32
            %sub3A_383 = arith.subi %add3A_234, %sub3A_382 : i32
            %dma_wait3A_384 = arith.constant 1 : i32
            %dma_wait3A_385 = arith.constant 0 : i32
            %dma_wait3A_386 = tpu.memref_slice %arg8[%dma_wait3A_384, %dma_wait3A_385] : memref<2x48xi32, #tpu.memory_space<vmem>> -> memref<1x48xi32, #tpu.memory_space<vmem>>
            %dma_wait3A_387 = tpu.memref_squeeze %dma_wait3A_386 : memref<1x48xi32, #tpu.memory_space<vmem>> -> memref<48xi32, #tpu.memory_space<vmem>>
            %dma_wait3A_388 = arith.constant 0 : i32
            %dma_wait3A_389 = arith.constant 0 : i32
            %dma_wait3A_390 = tpu.memref_slice %arg12[%dma_wait3A_388, %dma_wait3A_389] : memref<10240x144xf32, #tpu.memory_space<vmem_shared>> -> memref<10240x144xf32, #tpu.memory_space<vmem_shared>>
            tpu.wait_indirect_dma semaphore(%arg18 : memref<!tpu.dma_semaphore, #tpu.memory_space<semaphore_mem>>) src(%arg11 : memref<48x144xf32, #tpu.memory_space<vmem>>) dst(%dma_wait3A_390 : memref<10240x144xf32, #tpu.memory_space<vmem_shared>>)
          } else {
          }
          %add3A_309 = arith.constant 2 : i32
          %add3A_310 = arith.addi %add3A_234, %add3A_309 : i32
          %get3A = arith.index_cast %add3A_310 : i32 to index
          %get3A_311 = arith.constant 0 : index
          %get3A_312 = tpu.vector_load %arg5[%get3A, %get3A_311] {strides = array<i32>} : memref<216x48xi32, #tpu.memory_space<vmem>>, vector<1x16xi32>,
          %get3A_313 = vector.shape_cast %get3A_312 : vector<1x16xi32> to vector<16xi32>
          %and3A = arith.constant 65535 : i32
          %and3A_314 = vector.broadcast %and3A : i32 to vector<16xi32>
          %and3A_315 = arith.andi %get3A_313, %and3A_314 : vector<16xi32>
          %swap3A = arith.constant 0 : i32
          %swap3A_316 = arith.index_cast %swap3A : i32 to index
          %swap3A_317 = arith.constant 0 : index
          %swap3A_318 = tpu.vector_load %arg8[%swap3A_316, %swap3A_317] {strides = array<i32>} : memref<2x48xi32, #tpu.memory_space<vmem>>, vector<1x16xi32>,
          %swap3A_319 = vector.shape_cast %swap3A_318 : vector<1x16xi32> to vector<16xi32>
          %swap3A_320 = vector.shape_cast %and3A_315 : vector<16xi32> to vector<1x16xi32>
          tpu.vector_store %arg8[%swap3A_316, %swap3A_317], %swap3A_320 {strides = array<i32>} : memref<2x48xi32, #tpu.memory_space<vmem>>, vector<1x16xi32>,
          %shift_right_arithmetic3A = arith.constant 16 : i32
          %shift_right_arithmetic3A_321 = vector.broadcast %shift_right_arithmetic3A : i32 to vector<16xi32>
          %shift_right_arithmetic3A_322 = arith.shrsi %get3A_313, %shift_right_arithmetic3A_321 : vector<16xi32>
          %swap3A_323 = arith.constant 1 : i32
          %swap3A_324 = arith.index_cast %swap3A_323 : i32 to index
          %swap3A_325 = arith.constant 0 : index
          %swap3A_326 = tpu.vector_load %arg8[%swap3A_324, %swap3A_325] {strides = array<i32>} : memref<2x48xi32, #tpu.memory_space<vmem>>, vector<1x16xi32>,
          %swap3A_327 = vector.shape_cast %swap3A_326 : vector<1x16xi32> to vector<16xi32>
          %swap3A_328 = vector.shape_cast %shift_right_arithmetic3A_322 : vector<16xi32> to vector<1x16xi32>
          tpu.vector_store %arg8[%swap3A_324, %swap3A_325], %swap3A_328 {strides = array<i32>} : memref<2x48xi32, #tpu.memory_space<vmem>>, vector<1x16xi32>,
          %get3A_329 = arith.index_cast %add3A_310 : i32 to index
          %get3A_330 = arith.constant 16 : index
          %get3A_331 = tpu.vector_load %arg5[%get3A_329, %get3A_330] {strides = array<i32>} : memref<216x48xi32, #tpu.memory_space<vmem>>, vector<1x16xi32>,
          %get3A_332 = vector.shape_cast %get3A_331 : vector<1x16xi32> to vector<16xi32>
          %and3A_333 = arith.constant 65535 : i32
          %and3A_334 = vector.broadcast %and3A_333 : i32 to vector<16xi32>
          %and3A_335 = arith.andi %get3A_332, %and3A_334 : vector<16xi32>
          %swap3A_336 = arith.constant 0 : i32
          %swap3A_337 = arith.index_cast %swap3A_336 : i32 to index
          %swap3A_338 = arith.constant 16 : index
          %swap3A_339 = tpu.vector_load %arg8[%swap3A_337, %swap3A_338] {strides = array<i32>} : memref<2x48xi32, #tpu.memory_space<vmem>>, vector<1x16xi32>,
          %swap3A_340 = vector.shape_cast %swap3A_339 : vector<1x16xi32> to vector<16xi32>
          %swap3A_341 = vector.shape_cast %and3A_335 : vector<16xi32> to vector<1x16xi32>
          tpu.vector_store %arg8[%swap3A_337, %swap3A_338], %swap3A_341 {strides = array<i32>} : memref<2x48xi32, #tpu.memory_space<vmem>>, vector<1x16xi32>,
          %shift_right_arithmetic3A_342 = arith.constant 16 : i32
          %shift_right_arithmetic3A_343 = vector.broadcast %shift_right_arithmetic3A_342 : i32 to vector<16xi32>
          %shift_right_arithmetic3A_344 = arith.shrsi %get3A_332, %shift_right_arithmetic3A_343 : vector<16xi32>
          %swap3A_345 = arith.constant 1 : i32
          %swap3A_346 = arith.index_cast %swap3A_345 : i32 to index
          %swap3A_347 = arith.constant 16 : index
          %swap3A_348 = tpu.vector_load %arg8[%swap3A_346, %swap3A_347] {strides = array<i32>} : memref<2x48xi32, #tpu.memory_space<vmem>>, vector<1x16xi32>,
          %swap3A_349 = vector.shape_cast %swap3A_348 : vector<1x16xi32> to vector<16xi32>
          %swap3A_350 = vector.shape_cast %shift_right_arithmetic3A_344 : vector<16xi32> to vector<1x16xi32>
          tpu.vector_store %arg8[%swap3A_346, %swap3A_347], %swap3A_350 {strides = array<i32>} : memref<2x48xi32, #tpu.memory_space<vmem>>, vector<1x16xi32>,
          %get3A_351 = arith.index_cast %add3A_310 : i32 to index
          %get3A_352 = arith.constant 32 : index
          %get3A_353 = tpu.vector_load %arg5[%get3A_351, %get3A_352] {strides = array<i32>} : memref<216x48xi32, #tpu.memory_space<vmem>>, vector<1x16xi32>,
          %get3A_354 = vector.shape_cast %get3A_353 : vector<1x16xi32> to vector<16xi32>
          %and3A_355 = arith.constant 65535 : i32
          %and3A_356 = vector.broadcast %and3A_355 : i32 to vector<16xi32>
          %and3A_357 = arith.andi %get3A_354, %and3A_356 : vector<16xi32>
          %swap3A_358 = arith.constant 0 : i32
          %swap3A_359 = arith.index_cast %swap3A_358 : i32 to index
          %swap3A_360 = arith.constant 32 : index
          %swap3A_361 = tpu.vector_load %arg8[%swap3A_359, %swap3A_360] {strides = array<i32>} : memref<2x48xi32, #tpu.memory_space<vmem>>, vector<1x16xi32>,
          %swap3A_362 = vector.shape_cast %swap3A_361 : vector<1x16xi32> to vector<16xi32>
          %swap3A_363 = vector.shape_cast %and3A_357 : vector<16xi32> to vector<1x16xi32>
          tpu.vector_store %arg8[%swap3A_359, %swap3A_360], %swap3A_363 {strides = array<i32>} : memref<2x48xi32, #tpu.memory_space<vmem>>, vector<1x16xi32>,
          %shift_right_arithmetic3A_364 = arith.constant 16 : i32
          %shift_right_arithmetic3A_365 = vector.broadcast %shift_right_arithmetic3A_364 : i32 to vector<16xi32>
          %shift_right_arithmetic3A_366 = arith.shrsi %get3A_354, %shift_right_arithmetic3A_365 : vector<16xi32>
          %swap3A_367 = arith.constant 1 : i32
          %swap3A_368 = arith.index_cast %swap3A_367 : i32 to index
          %swap3A_369 = arith.constant 32 : index
          %swap3A_370 = tpu.vector_load %arg8[%swap3A_368, %swap3A_369] {strides = array<i32>} : memref<2x48xi32, #tpu.memory_space<vmem>>, vector<1x16xi32>,
          %swap3A_371 = vector.shape_cast %swap3A_370 : vector<1x16xi32> to vector<16xi32>
          %swap3A_372 = vector.shape_cast %shift_right_arithmetic3A_366 : vector<16xi32> to vector<1x16xi32>
          tpu.vector_store %arg8[%swap3A_368, %swap3A_369], %swap3A_372 {strides = array<i32>} : memref<2x48xi32, #tpu.memory_space<vmem>>, vector<1x16xi32>,
          %add3A_373 = arith.constant 2 : i32
          %add3A_374 = arith.addi %add3A_234, %add3A_373 : i32
          %dma_start3A_375 = arith.constant 0 : i32
          %dma_start3A_376 = arith.constant 0 : i32
          %dma_start3A_377 = tpu.memref_slice %arg8[%dma_start3A_375, %dma_start3A_376] : memref<2x48xi32, #tpu.memory_space<vmem>> -> memref<1x48xi32, #tpu.memory_space<vmem>>
          %dma_start3A_378 = tpu.memref_squeeze %dma_start3A_377 : memref<1x48xi32, #tpu.memory_space<vmem>> -> memref<48xi32, #tpu.memory_space<vmem>>
          %dma_start3A_379 = arith.constant 0 : i32
          %dma_start3A_380 = arith.constant 0 : i32
          %dma_start3A_381 = tpu.memref_slice %arg2[%dma_start3A_379, %dma_start3A_380] : memref<10000x144xf32, #tpu.memory_space<hbm>> -> memref<10000x144xf32, #tpu.memory_space<hbm>>
          tpu.enqueue_indirect_dma source(%dma_start3A_381 : memref<10000x144xf32, #tpu.memory_space<hbm>>) target(%arg11 : memref<48x144xf32, #tpu.memory_space<vmem>>) offsets(%dma_start3A_378 : memref<48xi32, #tpu.memory_space<vmem>>) semaphore(%arg15 : memref<!tpu.dma_semaphore, #tpu.memory_space<semaphore_mem>>)
        } else {
        }
        %mul3A_255 = arith.constant 3 : i32
        %mul3A_256 = arith.muli %scan3A_230, %mul3A_255 : i32
        %add3A_257 = arith.constant 1 : i32
        %add3A_258 = arith.addi %mul3A_256, %add3A_257 : i32
        %dma_wait3A_259 = arith.constant 0 : i32
        %dma_wait3A_260 = arith.constant 0 : i32
        %dma_wait3A_261 = tpu.memref_slice %arg7[%dma_wait3A_259, %dma_wait3A_260] : memref<2x48xi32, #tpu.memory_space<vmem>> -> memref<1x48xi32, #tpu.memory_space<vmem>>
        %dma_wait3A_262 = tpu.memref_squeeze %dma_wait3A_261 : memref<1x48xi32, #tpu.memory_space<vmem>> -> memref<48xi32, #tpu.memory_space<vmem>>
        %dma_wait3A_263 = arith.constant 0 : i32
        %dma_wait3A_264 = arith.constant 0 : i32
        %dma_wait3A_265 = tpu.memref_slice %arg2[%dma_wait3A_263, %dma_wait3A_264] : memref<10000x144xf32, #tpu.memory_space<hbm>> -> memref<10000x144xf32, #tpu.memory_space<hbm>>
        tpu.wait_indirect_dma semaphore(%arg14 : memref<!tpu.dma_semaphore, #tpu.memory_space<semaphore_mem>>) src(%dma_wait3A_265 : memref<10000x144xf32, #tpu.memory_space<hbm>>) dst(%arg10 : memref<48x144xf32, #tpu.memory_space<vmem>>)
        %dma_start3A_266 = arith.constant 1 : i32
        %dma_start3A_267 = arith.constant 0 : i32
        %dma_start3A_268 = tpu.memref_slice %arg7[%dma_start3A_266, %dma_start3A_267] : memref<2x48xi32, #tpu.memory_space<vmem>> -> memref<1x48xi32, #tpu.memory_space<vmem>>
        %dma_start3A_269 = tpu.memref_squeeze %dma_start3A_268 : memref<1x48xi32, #tpu.memory_space<vmem>> -> memref<48xi32, #tpu.memory_space<vmem>>
        %dma_start3A_270 = arith.constant 0 : i32
        %dma_start3A_271 = arith.constant 0 : i32
        %dma_start3A_272 = tpu.memref_slice %arg12[%dma_start3A_270, %dma_start3A_271] : memref<10240x144xf32, #tpu.memory_space<vmem_shared>> -> memref<10240x144xf32, #tpu.memory_space<vmem_shared>>
        tpu.enqueue_indirect_dma source(%arg10 : memref<48x144xf32, #tpu.memory_space<vmem>>) target(%dma_start3A_272 : memref<10240x144xf32, #tpu.memory_space<vmem_shared>>) offsets(%dma_start3A_269 : memref<48xi32, #tpu.memory_space<vmem>>) semaphore(%arg17 : memref<!tpu.dma_semaphore, #tpu.memory_space<semaphore_mem>>) {add = true}
        %add3A_273 = arith.constant 2 : i32
        %add3A_274 = arith.addi %add3A_258, %add3A_273 : i32
        %lt3A_275 = arith.constant 216 : i32
        %lt3A_276 = arith.cmpi slt, %add3A_274, %lt3A_275 : i32
        %convert_element_type3A_277 = arith.extui %lt3A_276 : i1 to i32
        %cond3A_278 = arith.constant 0 : i32
        %cond3A_279 = arith.cmpi ne, %convert_element_type3A_277, %cond3A_278 : i32
        scf.if %cond3A_279 {
          %ge3A = arith.constant 1 : i32
          %ge3A_305 = arith.cmpi sge, %add3A_258, %ge3A : i32
          %convert_element_type3A_306 = arith.extui %ge3A_305 : i1 to i32
          %cond3A_307 = arith.constant 0 : i32
          %cond3A_308 = arith.cmpi ne, %convert_element_type3A_306, %cond3A_307 : i32
          scf.if %cond3A_308 {
            %sub3A_382 = arith.constant 1 : i32
            %sub3A_383 = arith.subi %add3A_258, %sub3A_382 : i32
            %dma_wait3A_384 = arith.constant 1 : i32
            %dma_wait3A_385 = arith.constant 0 : i32
            %dma_wait3A_386 = tpu.memref_slice %arg6[%dma_wait3A_384, %dma_wait3A_385] : memref<2x48xi32, #tpu.memory_space<vmem>> -> memref<1x48xi32, #tpu.memory_space<vmem>>
            %dma_wait3A_387 = tpu.memref_squeeze %dma_wait3A_386 : memref<1x48xi32, #tpu.memory_space<vmem>> -> memref<48xi32, #tpu.memory_space<vmem>>
            %dma_wait3A_388 = arith.constant 0 : i32
            %dma_wait3A_389 = arith.constant 0 : i32
            %dma_wait3A_390 = tpu.memref_slice %arg12[%dma_wait3A_388, %dma_wait3A_389] : memref<10240x144xf32, #tpu.memory_space<vmem_shared>> -> memref<10240x144xf32, #tpu.memory_space<vmem_shared>>
            tpu.wait_indirect_dma semaphore(%arg16 : memref<!tpu.dma_semaphore, #tpu.memory_space<semaphore_mem>>) src(%arg9 : memref<48x144xf32, #tpu.memory_space<vmem>>) dst(%dma_wait3A_390 : memref<10240x144xf32, #tpu.memory_space<vmem_shared>>)
          } else {
          }
          %add3A_309 = arith.constant 2 : i32
          %add3A_310 = arith.addi %add3A_258, %add3A_309 : i32
          %get3A = arith.index_cast %add3A_310 : i32 to index
          %get3A_311 = arith.constant 0 : index
          %get3A_312 = tpu.vector_load %arg5[%get3A, %get3A_311] {strides = array<i32>} : memref<216x48xi32, #tpu.memory_space<vmem>>, vector<1x16xi32>,
          %get3A_313 = vector.shape_cast %get3A_312 : vector<1x16xi32> to vector<16xi32>
          %and3A = arith.constant 65535 : i32
          %and3A_314 = vector.broadcast %and3A : i32 to vector<16xi32>
          %and3A_315 = arith.andi %get3A_313, %and3A_314 : vector<16xi32>
          %swap3A = arith.constant 0 : i32
          %swap3A_316 = arith.index_cast %swap3A : i32 to index
          %swap3A_317 = arith.constant 0 : index
          %swap3A_318 = tpu.vector_load %arg6[%swap3A_316, %swap3A_317] {strides = array<i32>} : memref<2x48xi32, #tpu.memory_space<vmem>>, vector<1x16xi32>,
          %swap3A_319 = vector.shape_cast %swap3A_318 : vector<1x16xi32> to vector<16xi32>
          %swap3A_320 = vector.shape_cast %and3A_315 : vector<16xi32> to vector<1x16xi32>
          tpu.vector_store %arg6[%swap3A_316, %swap3A_317], %swap3A_320 {strides = array<i32>} : memref<2x48xi32, #tpu.memory_space<vmem>>, vector<1x16xi32>,
          %shift_right_arithmetic3A = arith.constant 16 : i32
          %shift_right_arithmetic3A_321 = vector.broadcast %shift_right_arithmetic3A : i32 to vector<16xi32>
          %shift_right_arithmetic3A_322 = arith.shrsi %get3A_313, %shift_right_arithmetic3A_321 : vector<16xi32>
          %swap3A_323 = arith.constant 1 : i32
          %swap3A_324 = arith.index_cast %swap3A_323 : i32 to index
          %swap3A_325 = arith.constant 0 : index
          %swap3A_326 = tpu.vector_load %arg6[%swap3A_324, %swap3A_325] {strides = array<i32>} : memref<2x48xi32, #tpu.memory_space<vmem>>, vector<1x16xi32>,
          %swap3A_327 = vector.shape_cast %swap3A_326 : vector<1x16xi32> to vector<16xi32>
          %swap3A_328 = vector.shape_cast %shift_right_arithmetic3A_322 : vector<16xi32> to vector<1x16xi32>
          tpu.vector_store %arg6[%swap3A_324, %swap3A_325], %swap3A_328 {strides = array<i32>} : memref<2x48xi32, #tpu.memory_space<vmem>>, vector<1x16xi32>,
          %get3A_329 = arith.index_cast %add3A_310 : i32 to index
          %get3A_330 = arith.constant 16 : index
          %get3A_331 = tpu.vector_load %arg5[%get3A_329, %get3A_330] {strides = array<i32>} : memref<216x48xi32, #tpu.memory_space<vmem>>, vector<1x16xi32>,
          %get3A_332 = vector.shape_cast %get3A_331 : vector<1x16xi32> to vector<16xi32>
          %and3A_333 = arith.constant 65535 : i32
          %and3A_334 = vector.broadcast %and3A_333 : i32 to vector<16xi32>
          %and3A_335 = arith.andi %get3A_332, %and3A_334 : vector<16xi32>
          %swap3A_336 = arith.constant 0 : i32
          %swap3A_337 = arith.index_cast %swap3A_336 : i32 to index
          %swap3A_338 = arith.constant 16 : index
          %swap3A_339 = tpu.vector_load %arg6[%swap3A_337, %swap3A_338] {strides = array<i32>} : memref<2x48xi32, #tpu.memory_space<vmem>>, vector<1x16xi32>,
          %swap3A_340 = vector.shape_cast %swap3A_339 : vector<1x16xi32> to vector<16xi32>
          %swap3A_341 = vector.shape_cast %and3A_335 : vector<16xi32> to vector<1x16xi32>
          tpu.vector_store %arg6[%swap3A_337, %swap3A_338], %swap3A_341 {strides = array<i32>} : memref<2x48xi32, #tpu.memory_space<vmem>>, vector<1x16xi32>,
          %shift_right_arithmetic3A_342 = arith.constant 16 : i32
          %shift_right_arithmetic3A_343 = vector.broadcast %shift_right_arithmetic3A_342 : i32 to vector<16xi32>
          %shift_right_arithmetic3A_344 = arith.shrsi %get3A_332, %shift_right_arithmetic3A_343 : vector<16xi32>
          %swap3A_345 = arith.constant 1 : i32
          %swap3A_346 = arith.index_cast %swap3A_345 : i32 to index
          %swap3A_347 = arith.constant 16 : index
          %swap3A_348 = tpu.vector_load %arg6[%swap3A_346, %swap3A_347] {strides = array<i32>} : memref<2x48xi32, #tpu.memory_space<vmem>>, vector<1x16xi32>,
          %swap3A_349 = vector.shape_cast %swap3A_348 : vector<1x16xi32> to vector<16xi32>
          %swap3A_350 = vector.shape_cast %shift_right_arithmetic3A_344 : vector<16xi32> to vector<1x16xi32>
          tpu.vector_store %arg6[%swap3A_346, %swap3A_347], %swap3A_350 {strides = array<i32>} : memref<2x48xi32, #tpu.memory_space<vmem>>, vector<1x16xi32>,
          %get3A_351 = arith.index_cast %add3A_310 : i32 to index
          %get3A_352 = arith.constant 32 : index
          %get3A_353 = tpu.vector_load %arg5[%get3A_351, %get3A_352] {strides = array<i32>} : memref<216x48xi32, #tpu.memory_space<vmem>>, vector<1x16xi32>,
          %get3A_354 = vector.shape_cast %get3A_353 : vector<1x16xi32> to vector<16xi32>
          %and3A_355 = arith.constant 65535 : i32
          %and3A_356 = vector.broadcast %and3A_355 : i32 to vector<16xi32>
          %and3A_357 = arith.andi %get3A_354, %and3A_356 : vector<16xi32>
          %swap3A_358 = arith.constant 0 : i32
          %swap3A_359 = arith.index_cast %swap3A_358 : i32 to index
          %swap3A_360 = arith.constant 32 : index
          %swap3A_361 = tpu.vector_load %arg6[%swap3A_359, %swap3A_360] {strides = array<i32>} : memref<2x48xi32, #tpu.memory_space<vmem>>, vector<1x16xi32>,
          %swap3A_362 = vector.shape_cast %swap3A_361 : vector<1x16xi32> to vector<16xi32>
          %swap3A_363 = vector.shape_cast %and3A_357 : vector<16xi32> to vector<1x16xi32>
          tpu.vector_store %arg6[%swap3A_359, %swap3A_360], %swap3A_363 {strides = array<i32>} : memref<2x48xi32, #tpu.memory_space<vmem>>, vector<1x16xi32>,
          %shift_right_arithmetic3A_364 = arith.constant 16 : i32
          %shift_right_arithmetic3A_365 = vector.broadcast %shift_right_arithmetic3A_364 : i32 to vector<16xi32>
          %shift_right_arithmetic3A_366 = arith.shrsi %get3A_354, %shift_right_arithmetic3A_365 : vector<16xi32>
          %swap3A_367 = arith.constant 1 : i32
          %swap3A_368 = arith.index_cast %swap3A_367 : i32 to index
          %swap3A_369 = arith.constant 32 : index
          %swap3A_370 = tpu.vector_load %arg6[%swap3A_368, %swap3A_369] {strides = array<i32>} : memref<2x48xi32, #tpu.memory_space<vmem>>, vector<1x16xi32>,
          %swap3A_371 = vector.shape_cast %swap3A_370 : vector<1x16xi32> to vector<16xi32>
          %swap3A_372 = vector.shape_cast %shift_right_arithmetic3A_366 : vector<16xi32> to vector<1x16xi32>
          tpu.vector_store %arg6[%swap3A_368, %swap3A_369], %swap3A_372 {strides = array<i32>} : memref<2x48xi32, #tpu.memory_space<vmem>>, vector<1x16xi32>,
          %add3A_373 = arith.constant 2 : i32
          %add3A_374 = arith.addi %add3A_258, %add3A_373 : i32
          %dma_start3A_375 = arith.constant 0 : i32
          %dma_start3A_376 = arith.constant 0 : i32
          %dma_start3A_377 = tpu.memref_slice %arg6[%dma_start3A_375, %dma_start3A_376] : memref<2x48xi32, #tpu.memory_space<vmem>> -> memref<1x48xi32, #tpu.memory_space<vmem>>
          %dma_start3A_378 = tpu.memref_squeeze %dma_start3A_377 : memref<1x48xi32, #tpu.memory_space<vmem>> -> memref<48xi32, #tpu.memory_space<vmem>>
          %dma_start3A_379 = arith.constant 0 : i32
          %dma_start3A_380 = arith.constant 0 : i32
          %dma_start3A_381 = tpu.memref_slice %arg2[%dma_start3A_379, %dma_start3A_380] : memref<10000x144xf32, #tpu.memory_space<hbm>> -> memref<10000x144xf32, #tpu.memory_space<hbm>>
          tpu.enqueue_indirect_dma source(%dma_start3A_381 : memref<10000x144xf32, #tpu.memory_space<hbm>>) target(%arg9 : memref<48x144xf32, #tpu.memory_space<vmem>>) offsets(%dma_start3A_378 : memref<48xi32, #tpu.memory_space<vmem>>) semaphore(%arg13 : memref<!tpu.dma_semaphore, #tpu.memory_space<semaphore_mem>>)
        } else {
        }
        %mul3A_280 = arith.constant 3 : i32
        %mul3A_281 = arith.muli %scan3A_230, %mul3A_280 : i32
        %add3A_282 = arith.constant 2 : i32
        %add3A_283 = arith.addi %mul3A_281, %add3A_282 : i32
        %dma_wait3A_284 = arith.constant 0 : i32
        %dma_wait3A_285 = arith.constant 0 : i32
        %dma_wait3A_286 = tpu.memref_slice %arg8[%dma_wait3A_284, %dma_wait3A_285] : memref<2x48xi32, #tpu.memory_space<vmem>> -> memref<1x48xi32, #tpu.memory_space<vmem>>
        %dma_wait3A_287 = tpu.memref_squeeze %dma_wait3A_286 : memref<1x48xi32, #tpu.memory_space<vmem>> -> memref<48xi32, #tpu.memory_space<vmem>>
        %dma_wait3A_288 = arith.constant 0 : i32
        %dma_wait3A_289 = arith.constant 0 : i32
        %dma_wait3A_290 = tpu.memref_slice %arg2[%dma_wait3A_288, %dma_wait3A_289] : memref<10000x144xf32, #tpu.memory_space<hbm>> -> memref<10000x144xf32, #tpu.memory_space<hbm>>
        tpu.wait_indirect_dma semaphore(%arg15 : memref<!tpu.dma_semaphore, #tpu.memory_space<semaphore_mem>>) src(%dma_wait3A_290 : memref<10000x144xf32, #tpu.memory_space<hbm>>) dst(%arg11 : memref<48x144xf32, #tpu.memory_space<vmem>>)
        %dma_start3A_291 = arith.constant 1 : i32
        %dma_start3A_292 = arith.constant 0 : i32
        %dma_start3A_293 = tpu.memref_slice %arg8[%dma_start3A_291, %dma_start3A_292] : memref<2x48xi32, #tpu.memory_space<vmem>> -> memref<1x48xi32, #tpu.memory_space<vmem>>
        %dma_start3A_294 = tpu.memref_squeeze %dma_start3A_293 : memref<1x48xi32, #tpu.memory_space<vmem>> -> memref<48xi32, #tpu.memory_space<vmem>>
        %dma_start3A_295 = arith.constant 0 : i32
        %dma_start3A_296 = arith.constant 0 : i32
        %dma_start3A_297 = tpu.memref_slice %arg12[%dma_start3A_295, %dma_start3A_296] : memref<10240x144xf32, #tpu.memory_space<vmem_shared>> -> memref<10240x144xf32, #tpu.memory_space<vmem_shared>>
        tpu.enqueue_indirect_dma source(%arg11 : memref<48x144xf32, #tpu.memory_space<vmem>>) target(%dma_start3A_297 : memref<10240x144xf32, #tpu.memory_space<vmem_shared>>) offsets(%dma_start3A_294 : memref<48xi32, #tpu.memory_space<vmem>>) semaphore(%arg18 : memref<!tpu.dma_semaphore, #tpu.memory_space<semaphore_mem>>) {add = true}
        %add3A_298 = arith.constant 2 : i32
        %add3A_299 = arith.addi %add3A_283, %add3A_298 : i32
        %lt3A_300 = arith.constant 216 : i32
        %lt3A_301 = arith.cmpi slt, %add3A_299, %lt3A_300 : i32
        %convert_element_type3A_302 = arith.extui %lt3A_301 : i1 to i32
        %cond3A_303 = arith.constant 0 : i32
        %cond3A_304 = arith.cmpi ne, %convert_element_type3A_302, %cond3A_303 : i32
        scf.if %cond3A_304 {
          %ge3A = arith.constant 1 : i32
          %ge3A_305 = arith.cmpi sge, %add3A_283, %ge3A : i32
          %convert_element_type3A_306 = arith.extui %ge3A_305 : i1 to i32
          %cond3A_307 = arith.constant 0 : i32
          %cond3A_308 = arith.cmpi ne, %convert_element_type3A_306, %cond3A_307 : i32
          scf.if %cond3A_308 {
            %sub3A_382 = arith.constant 1 : i32
            %sub3A_383 = arith.subi %add3A_283, %sub3A_382 : i32
            %dma_wait3A_384 = arith.constant 1 : i32
            %dma_wait3A_385 = arith.constant 0 : i32
            %dma_wait3A_386 = tpu.memref_slice %arg7[%dma_wait3A_384, %dma_wait3A_385] : memref<2x48xi32, #tpu.memory_space<vmem>> -> memref<1x48xi32, #tpu.memory_space<vmem>>
            %dma_wait3A_387 = tpu.memref_squeeze %dma_wait3A_386 : memref<1x48xi32, #tpu.memory_space<vmem>> -> memref<48xi32, #tpu.memory_space<vmem>>
            %dma_wait3A_388 = arith.constant 0 : i32
            %dma_wait3A_389 = arith.constant 0 : i32
            %dma_wait3A_390 = tpu.memref_slice %arg12[%dma_wait3A_388, %dma_wait3A_389] : memref<10240x144xf32, #tpu.memory_space<vmem_shared>> -> memref<10240x144xf32, #tpu.memory_space<vmem_shared>>
            tpu.wait_indirect_dma semaphore(%arg17 : memref<!tpu.dma_semaphore, #tpu.memory_space<semaphore_mem>>) src(%arg10 : memref<48x144xf32, #tpu.memory_space<vmem>>) dst(%dma_wait3A_390 : memref<10240x144xf32, #tpu.memory_space<vmem_shared>>)
          } else {
          }
          %add3A_309 = arith.constant 2 : i32
          %add3A_310 = arith.addi %add3A_283, %add3A_309 : i32
          %get3A = arith.index_cast %add3A_310 : i32 to index
          %get3A_311 = arith.constant 0 : index
          %get3A_312 = tpu.vector_load %arg5[%get3A, %get3A_311] {strides = array<i32>} : memref<216x48xi32, #tpu.memory_space<vmem>>, vector<1x16xi32>,
          %get3A_313 = vector.shape_cast %get3A_312 : vector<1x16xi32> to vector<16xi32>
          %and3A = arith.constant 65535 : i32
          %and3A_314 = vector.broadcast %and3A : i32 to vector<16xi32>
          %and3A_315 = arith.andi %get3A_313, %and3A_314 : vector<16xi32>
          %swap3A = arith.constant 0 : i32
          %swap3A_316 = arith.index_cast %swap3A : i32 to index
          %swap3A_317 = arith.constant 0 : index
          %swap3A_318 = tpu.vector_load %arg7[%swap3A_316, %swap3A_317] {strides = array<i32>} : memref<2x48xi32, #tpu.memory_space<vmem>>, vector<1x16xi32>,
          %swap3A_319 = vector.shape_cast %swap3A_318 : vector<1x16xi32> to vector<16xi32>
          %swap3A_320 = vector.shape_cast %and3A_315 : vector<16xi32> to vector<1x16xi32>
          tpu.vector_store %arg7[%swap3A_316, %swap3A_317], %swap3A_320 {strides = array<i32>} : memref<2x48xi32, #tpu.memory_space<vmem>>, vector<1x16xi32>,
          %shift_right_arithmetic3A = arith.constant 16 : i32
          %shift_right_arithmetic3A_321 = vector.broadcast %shift_right_arithmetic3A : i32 to vector<16xi32>
          %shift_right_arithmetic3A_322 = arith.shrsi %get3A_313, %shift_right_arithmetic3A_321 : vector<16xi32>
          %swap3A_323 = arith.constant 1 : i32
          %swap3A_324 = arith.index_cast %swap3A_323 : i32 to index
          %swap3A_325 = arith.constant 0 : index
          %swap3A_326 = tpu.vector_load %arg7[%swap3A_324, %swap3A_325] {strides = array<i32>} : memref<2x48xi32, #tpu.memory_space<vmem>>, vector<1x16xi32>,
          %swap3A_327 = vector.shape_cast %swap3A_326 : vector<1x16xi32> to vector<16xi32>
          %swap3A_328 = vector.shape_cast %shift_right_arithmetic3A_322 : vector<16xi32> to vector<1x16xi32>
          tpu.vector_store %arg7[%swap3A_324, %swap3A_325], %swap3A_328 {strides = array<i32>} : memref<2x48xi32, #tpu.memory_space<vmem>>, vector<1x16xi32>,
          %get3A_329 = arith.index_cast %add3A_310 : i32 to index
          %get3A_330 = arith.constant 16 : index
          %get3A_331 = tpu.vector_load %arg5[%get3A_329, %get3A_330] {strides = array<i32>} : memref<216x48xi32, #tpu.memory_space<vmem>>, vector<1x16xi32>,
          %get3A_332 = vector.shape_cast %get3A_331 : vector<1x16xi32> to vector<16xi32>
          %and3A_333 = arith.constant 65535 : i32
          %and3A_334 = vector.broadcast %and3A_333 : i32 to vector<16xi32>
          %and3A_335 = arith.andi %get3A_332, %and3A_334 : vector<16xi32>
          %swap3A_336 = arith.constant 0 : i32
          %swap3A_337 = arith.index_cast %swap3A_336 : i32 to index
          %swap3A_338 = arith.constant 16 : index
          %swap3A_339 = tpu.vector_load %arg7[%swap3A_337, %swap3A_338] {strides = array<i32>} : memref<2x48xi32, #tpu.memory_space<vmem>>, vector<1x16xi32>,
          %swap3A_340 = vector.shape_cast %swap3A_339 : vector<1x16xi32> to vector<16xi32>
          %swap3A_341 = vector.shape_cast %and3A_335 : vector<16xi32> to vector<1x16xi32>
          tpu.vector_store %arg7[%swap3A_337, %swap3A_338], %swap3A_341 {strides = array<i32>} : memref<2x48xi32, #tpu.memory_space<vmem>>, vector<1x16xi32>,
          %shift_right_arithmetic3A_342 = arith.constant 16 : i32
          %shift_right_arithmetic3A_343 = vector.broadcast %shift_right_arithmetic3A_342 : i32 to vector<16xi32>
          %shift_right_arithmetic3A_344 = arith.shrsi %get3A_332, %shift_right_arithmetic3A_343 : vector<16xi32>
          %swap3A_345 = arith.constant 1 : i32
          %swap3A_346 = arith.index_cast %swap3A_345 : i32 to index
          %swap3A_347 = arith.constant 16 : index
          %swap3A_348 = tpu.vector_load %arg7[%swap3A_346, %swap3A_347] {strides = array<i32>} : memref<2x48xi32, #tpu.memory_space<vmem>>, vector<1x16xi32>,
          %swap3A_349 = vector.shape_cast %swap3A_348 : vector<1x16xi32> to vector<16xi32>
          %swap3A_350 = vector.shape_cast %shift_right_arithmetic3A_344 : vector<16xi32> to vector<1x16xi32>
          tpu.vector_store %arg7[%swap3A_346, %swap3A_347], %swap3A_350 {strides = array<i32>} : memref<2x48xi32, #tpu.memory_space<vmem>>, vector<1x16xi32>,
          %get3A_351 = arith.index_cast %add3A_310 : i32 to index
          %get3A_352 = arith.constant 32 : index
          %get3A_353 = tpu.vector_load %arg5[%get3A_351, %get3A_352] {strides = array<i32>} : memref<216x48xi32, #tpu.memory_space<vmem>>, vector<1x16xi32>,
          %get3A_354 = vector.shape_cast %get3A_353 : vector<1x16xi32> to vector<16xi32>
          %and3A_355 = arith.constant 65535 : i32
          %and3A_356 = vector.broadcast %and3A_355 : i32 to vector<16xi32>
          %and3A_357 = arith.andi %get3A_354, %and3A_356 : vector<16xi32>
          %swap3A_358 = arith.constant 0 : i32
          %swap3A_359 = arith.index_cast %swap3A_358 : i32 to index
          %swap3A_360 = arith.constant 32 : index
          %swap3A_361 = tpu.vector_load %arg7[%swap3A_359, %swap3A_360] {strides = array<i32>} : memref<2x48xi32, #tpu.memory_space<vmem>>, vector<1x16xi32>,
          %swap3A_362 = vector.shape_cast %swap3A_361 : vector<1x16xi32> to vector<16xi32>
          %swap3A_363 = vector.shape_cast %and3A_357 : vector<16xi32> to vector<1x16xi32>
          tpu.vector_store %arg7[%swap3A_359, %swap3A_360], %swap3A_363 {strides = array<i32>} : memref<2x48xi32, #tpu.memory_space<vmem>>, vector<1x16xi32>,
          %shift_right_arithmetic3A_364 = arith.constant 16 : i32
          %shift_right_arithmetic3A_365 = vector.broadcast %shift_right_arithmetic3A_364 : i32 to vector<16xi32>
          %shift_right_arithmetic3A_366 = arith.shrsi %get3A_354, %shift_right_arithmetic3A_365 : vector<16xi32>
          %swap3A_367 = arith.constant 1 : i32
          %swap3A_368 = arith.index_cast %swap3A_367 : i32 to index
          %swap3A_369 = arith.constant 32 : index
          %swap3A_370 = tpu.vector_load %arg7[%swap3A_368, %swap3A_369] {strides = array<i32>} : memref<2x48xi32, #tpu.memory_space<vmem>>, vector<1x16xi32>,
          %swap3A_371 = vector.shape_cast %swap3A_370 : vector<1x16xi32> to vector<16xi32>
          %swap3A_372 = vector.shape_cast %shift_right_arithmetic3A_366 : vector<16xi32> to vector<1x16xi32>
          tpu.vector_store %arg7[%swap3A_368, %swap3A_369], %swap3A_372 {strides = array<i32>} : memref<2x48xi32, #tpu.memory_space<vmem>>, vector<1x16xi32>,
          %add3A_373 = arith.constant 2 : i32
          %add3A_374 = arith.addi %add3A_283, %add3A_373 : i32
          %dma_start3A_375 = arith.constant 0 : i32
          %dma_start3A_376 = arith.constant 0 : i32
          %dma_start3A_377 = tpu.memref_slice %arg7[%dma_start3A_375, %dma_start3A_376] : memref<2x48xi32, #tpu.memory_space<vmem>> -> memref<1x48xi32, #tpu.memory_space<vmem>>
          %dma_start3A_378 = tpu.memref_squeeze %dma_start3A_377 : memref<1x48xi32, #tpu.memory_space<vmem>> -> memref<48xi32, #tpu.memory_space<vmem>>
          %dma_start3A_379 = arith.constant 0 : i32
          %dma_start3A_380 = arith.constant 0 : i32
          %dma_start3A_381 = tpu.memref_slice %arg2[%dma_start3A_379, %dma_start3A_380] : memref<10000x144xf32, #tpu.memory_space<hbm>> -> memref<10000x144xf32, #tpu.memory_space<hbm>>
          tpu.enqueue_indirect_dma source(%dma_start3A_381 : memref<10000x144xf32, #tpu.memory_space<hbm>>) target(%arg10 : memref<48x144xf32, #tpu.memory_space<vmem>>) offsets(%dma_start3A_378 : memref<48xi32, #tpu.memory_space<vmem>>) semaphore(%arg14 : memref<!tpu.dma_semaphore, #tpu.memory_space<semaphore_mem>>)
        } else {
        }
      }
      %scan3A_208 = arith.constant 72 : i32
      %dma_wait3A_209 = arith.constant 1 : i32
      %dma_wait3A_210 = arith.constant 0 : i32
      %dma_wait3A_211 = tpu.memref_slice %arg6[%dma_wait3A_209, %dma_wait3A_210] : memref<2x48xi32, #tpu.memory_space<vmem>> -> memref<1x48xi32, #tpu.memory_space<vmem>>
      %dma_wait3A_212 = tpu.memref_squeeze %dma_wait3A_211 : memref<1x48xi32, #tpu.memory_space<vmem>> -> memref<48xi32, #tpu.memory_space<vmem>>
      %dma_wait3A_213 = arith.constant 0 : i32
      %dma_wait3A_214 = arith.constant 0 : i32
      %dma_wait3A_215 = tpu.memref_slice %arg12[%dma_wait3A_213, %dma_wait3A_214] : memref<10240x144xf32, #tpu.memory_space<vmem_shared>> -> memref<10240x144xf32, #tpu.memory_space<vmem_shared>>
      tpu.wait_indirect_dma semaphore(%arg16 : memref<!tpu.dma_semaphore, #tpu.memory_space<semaphore_mem>>) src(%arg9 : memref<48x144xf32, #tpu.memory_space<vmem>>) dst(%dma_wait3A_215 : memref<10240x144xf32, #tpu.memory_space<vmem_shared>>)
      %dma_wait3A_216 = arith.constant 1 : i32
      %dma_wait3A_217 = arith.constant 0 : i32
      %dma_wait3A_218 = tpu.memref_slice %arg7[%dma_wait3A_216, %dma_wait3A_217] : memref<2x48xi32, #tpu.memory_space<vmem>> -> memref<1x48xi32, #tpu.memory_space<vmem>>
      %dma_wait3A_219 = tpu.memref_squeeze %dma_wait3A_218 : memref<1x48xi32, #tpu.memory_space<vmem>> -> memref<48xi32, #tpu.memory_space<vmem>>
      %dma_wait3A_220 = arith.constant 0 : i32
      %dma_wait3A_221 = arith.constant 0 : i32
      %dma_wait3A_222 = tpu.memref_slice %arg12[%dma_wait3A_220, %dma_wait3A_221] : memref<10240x144xf32, #tpu.memory_space<vmem_shared>> -> memref<10240x144xf32, #tpu.memory_space<vmem_shared>>
      tpu.wait_indirect_dma semaphore(%arg17 : memref<!tpu.dma_semaphore, #tpu.memory_space<semaphore_mem>>) src(%arg10 : memref<48x144xf32, #tpu.memory_space<vmem>>) dst(%dma_wait3A_222 : memref<10240x144xf32, #tpu.memory_space<vmem_shared>>)
      %dma_wait3A_223 = arith.constant 1 : i32
      %dma_wait3A_224 = arith.constant 0 : i32
      %dma_wait3A_225 = tpu.memref_slice %arg8[%dma_wait3A_223, %dma_wait3A_224] : memref<2x48xi32, #tpu.memory_space<vmem>> -> memref<1x48xi32, #tpu.memory_space<vmem>>
      %dma_wait3A_226 = tpu.memref_squeeze %dma_wait3A_225 : memref<1x48xi32, #tpu.memory_space<vmem>> -> memref<48xi32, #tpu.memory_space<vmem>>
      %dma_wait3A_227 = arith.constant 0 : i32
      %dma_wait3A_228 = arith.constant 0 : i32
      %dma_wait3A_229 = tpu.memref_slice %arg12[%dma_wait3A_227, %dma_wait3A_228] : memref<10240x144xf32, #tpu.memory_space<vmem_shared>> -> memref<10240x144xf32, #tpu.memory_space<vmem_shared>>
      tpu.wait_indirect_dma semaphore(%arg18 : memref<!tpu.dma_semaphore, #tpu.memory_space<semaphore_mem>>) src(%arg11 : memref<48x144xf32, #tpu.memory_space<vmem>>) dst(%dma_wait3A_229 : memref<10240x144xf32, #tpu.memory_space<vmem_shared>>)
    } else {
    }
    %eq3A_195 = arith.constant 1 : i32
    %eq3A_196 = arith.cmpi eq, %arg0, %eq3A_195 : i32
    %convert_element_type3A_197 = arith.extui %eq3A_196 : i1 to i32
    %cond3A_198 = arith.constant 0 : i32
    %cond3A_199 = arith.cmpi ne, %convert_element_type3A_197, %cond3A_198 : i32
    scf.if %cond3A_199 {
      %scan3A_203 = arith.constant 0 : i32
      %scan3A_204 = arith.constant 0 : i32
      %scan3A_205 = arith.constant 67 : i32
      %scan3A_206 = arith.addi %scan3A_204, %scan3A_205 : i32
      %scan3A_207 = arith.constant 1 : i32
      scf.for %scan3A_230 = %scan3A_204 to %scan3A_206 step %scan3A_207  : i32 {
        %mul3A_231 = arith.constant 3 : i32
        %mul3A_232 = arith.muli %scan3A_230, %mul3A_231 : i32
        %add3A_233 = arith.constant 0 : i32
        %add3A_234 = arith.addi %mul3A_232, %add3A_233 : i32
        %dma_wait3A_235 = arith.constant 0 : i32
        %dma_wait3A_236 = arith.constant 0 : i32
        %dma_wait3A_237 = tpu.memref_slice %arg6[%dma_wait3A_235, %dma_wait3A_236] : memref<2x48xi32, #tpu.memory_space<vmem>> -> memref<1x48xi32, #tpu.memory_space<vmem>>
        %dma_wait3A_238 = tpu.memref_squeeze %dma_wait3A_237 : memref<1x48xi32, #tpu.memory_space<vmem>> -> memref<48xi32, #tpu.memory_space<vmem>>
        %dma_wait3A_239 = arith.constant 0 : i32
        %dma_wait3A_240 = arith.constant 0 : i32
        %dma_wait3A_241 = tpu.memref_slice %arg2[%dma_wait3A_239, %dma_wait3A_240] : memref<10000x144xf32, #tpu.memory_space<hbm>> -> memref<10000x144xf32, #tpu.memory_space<hbm>>
        tpu.wait_indirect_dma semaphore(%arg13 : memref<!tpu.dma_semaphore, #tpu.memory_space<semaphore_mem>>) src(%dma_wait3A_241 : memref<10000x144xf32, #tpu.memory_space<hbm>>) dst(%arg9 : memref<48x144xf32, #tpu.memory_space<vmem>>)
        %dma_start3A_242 = arith.constant 1 : i32
        %dma_start3A_243 = arith.constant 0 : i32
        %dma_start3A_244 = tpu.memref_slice %arg6[%dma_start3A_242, %dma_start3A_243] : memref<2x48xi32, #tpu.memory_space<vmem>> -> memref<1x48xi32, #tpu.memory_space<vmem>>
        %dma_start3A_245 = tpu.memref_squeeze %dma_start3A_244 : memref<1x48xi32, #tpu.memory_space<vmem>> -> memref<48xi32, #tpu.memory_space<vmem>>
        %dma_start3A_246 = arith.constant 0 : i32
        %dma_start3A_247 = arith.constant 0 : i32
        %dma_start3A_248 = tpu.memref_slice %arg12[%dma_start3A_246, %dma_start3A_247] : memref<10240x144xf32, #tpu.memory_space<vmem_shared>> -> memref<10240x144xf32, #tpu.memory_space<vmem_shared>>
        tpu.enqueue_indirect_dma source(%arg9 : memref<48x144xf32, #tpu.memory_space<vmem>>) target(%dma_start3A_248 : memref<10240x144xf32, #tpu.memory_space<vmem_shared>>) offsets(%dma_start3A_245 : memref<48xi32, #tpu.memory_space<vmem>>) semaphore(%arg16 : memref<!tpu.dma_semaphore, #tpu.memory_space<semaphore_mem>>) {add = true}
        %add3A_249 = arith.constant 2 : i32
        %add3A_250 = arith.addi %add3A_234, %add3A_249 : i32
        %lt3A = arith.constant 201 : i32
        %lt3A_251 = arith.cmpi slt, %add3A_250, %lt3A : i32
        %convert_element_type3A_252 = arith.extui %lt3A_251 : i1 to i32
        %cond3A_253 = arith.constant 0 : i32
        %cond3A_254 = arith.cmpi ne, %convert_element_type3A_252, %cond3A_253 : i32
        scf.if %cond3A_254 {
          %ge3A = arith.constant 1 : i32
          %ge3A_305 = arith.cmpi sge, %add3A_234, %ge3A : i32
          %convert_element_type3A_306 = arith.extui %ge3A_305 : i1 to i32
          %cond3A_307 = arith.constant 0 : i32
          %cond3A_308 = arith.cmpi ne, %convert_element_type3A_306, %cond3A_307 : i32
          scf.if %cond3A_308 {
            %sub3A_382 = arith.constant 1 : i32
            %sub3A_383 = arith.subi %add3A_234, %sub3A_382 : i32
            %dma_wait3A_384 = arith.constant 1 : i32
            %dma_wait3A_385 = arith.constant 0 : i32
            %dma_wait3A_386 = tpu.memref_slice %arg8[%dma_wait3A_384, %dma_wait3A_385] : memref<2x48xi32, #tpu.memory_space<vmem>> -> memref<1x48xi32, #tpu.memory_space<vmem>>
            %dma_wait3A_387 = tpu.memref_squeeze %dma_wait3A_386 : memref<1x48xi32, #tpu.memory_space<vmem>> -> memref<48xi32, #tpu.memory_space<vmem>>
            %dma_wait3A_388 = arith.constant 0 : i32
            %dma_wait3A_389 = arith.constant 0 : i32
            %dma_wait3A_390 = tpu.memref_slice %arg12[%dma_wait3A_388, %dma_wait3A_389] : memref<10240x144xf32, #tpu.memory_space<vmem_shared>> -> memref<10240x144xf32, #tpu.memory_space<vmem_shared>>
            tpu.wait_indirect_dma semaphore(%arg18 : memref<!tpu.dma_semaphore, #tpu.memory_space<semaphore_mem>>) src(%arg11 : memref<48x144xf32, #tpu.memory_space<vmem>>) dst(%dma_wait3A_390 : memref<10240x144xf32, #tpu.memory_space<vmem_shared>>)
          } else {
          }
          %add3A_309 = arith.constant 2 : i32
          %add3A_310 = arith.addi %add3A_234, %add3A_309 : i32
          %get3A = arith.index_cast %add3A_310 : i32 to index
          %get3A_311 = arith.constant 0 : index
          %get3A_312 = tpu.vector_load %arg5[%get3A, %get3A_311] {strides = array<i32>} : memref<216x48xi32, #tpu.memory_space<vmem>>, vector<1x16xi32>,
          %get3A_313 = vector.shape_cast %get3A_312 : vector<1x16xi32> to vector<16xi32>
          %and3A = arith.constant 65535 : i32
          %and3A_314 = vector.broadcast %and3A : i32 to vector<16xi32>
          %and3A_315 = arith.andi %get3A_313, %and3A_314 : vector<16xi32>
          %swap3A = arith.constant 0 : i32
          %swap3A_316 = arith.index_cast %swap3A : i32 to index
          %swap3A_317 = arith.constant 0 : index
          %swap3A_318 = tpu.vector_load %arg8[%swap3A_316, %swap3A_317] {strides = array<i32>} : memref<2x48xi32, #tpu.memory_space<vmem>>, vector<1x16xi32>,
          %swap3A_319 = vector.shape_cast %swap3A_318 : vector<1x16xi32> to vector<16xi32>
          %swap3A_320 = vector.shape_cast %and3A_315 : vector<16xi32> to vector<1x16xi32>
          tpu.vector_store %arg8[%swap3A_316, %swap3A_317], %swap3A_320 {strides = array<i32>} : memref<2x48xi32, #tpu.memory_space<vmem>>, vector<1x16xi32>,
          %shift_right_arithmetic3A = arith.constant 16 : i32
          %shift_right_arithmetic3A_321 = vector.broadcast %shift_right_arithmetic3A : i32 to vector<16xi32>
          %shift_right_arithmetic3A_322 = arith.shrsi %get3A_313, %shift_right_arithmetic3A_321 : vector<16xi32>
          %swap3A_323 = arith.constant 1 : i32
          %swap3A_324 = arith.index_cast %swap3A_323 : i32 to index
          %swap3A_325 = arith.constant 0 : index
          %swap3A_326 = tpu.vector_load %arg8[%swap3A_324, %swap3A_325] {strides = array<i32>} : memref<2x48xi32, #tpu.memory_space<vmem>>, vector<1x16xi32>,
          %swap3A_327 = vector.shape_cast %swap3A_326 : vector<1x16xi32> to vector<16xi32>
          %swap3A_328 = vector.shape_cast %shift_right_arithmetic3A_322 : vector<16xi32> to vector<1x16xi32>
          tpu.vector_store %arg8[%swap3A_324, %swap3A_325], %swap3A_328 {strides = array<i32>} : memref<2x48xi32, #tpu.memory_space<vmem>>, vector<1x16xi32>,
          %get3A_329 = arith.index_cast %add3A_310 : i32 to index
          %get3A_330 = arith.constant 16 : index
          %get3A_331 = tpu.vector_load %arg5[%get3A_329, %get3A_330] {strides = array<i32>} : memref<216x48xi32, #tpu.memory_space<vmem>>, vector<1x16xi32>,
          %get3A_332 = vector.shape_cast %get3A_331 : vector<1x16xi32> to vector<16xi32>
          %and3A_333 = arith.constant 65535 : i32
          %and3A_334 = vector.broadcast %and3A_333 : i32 to vector<16xi32>
          %and3A_335 = arith.andi %get3A_332, %and3A_334 : vector<16xi32>
          %swap3A_336 = arith.constant 0 : i32
          %swap3A_337 = arith.index_cast %swap3A_336 : i32 to index
          %swap3A_338 = arith.constant 16 : index
          %swap3A_339 = tpu.vector_load %arg8[%swap3A_337, %swap3A_338] {strides = array<i32>} : memref<2x48xi32, #tpu.memory_space<vmem>>, vector<1x16xi32>,
          %swap3A_340 = vector.shape_cast %swap3A_339 : vector<1x16xi32> to vector<16xi32>
          %swap3A_341 = vector.shape_cast %and3A_335 : vector<16xi32> to vector<1x16xi32>
          tpu.vector_store %arg8[%swap3A_337, %swap3A_338], %swap3A_341 {strides = array<i32>} : memref<2x48xi32, #tpu.memory_space<vmem>>, vector<1x16xi32>,
          %shift_right_arithmetic3A_342 = arith.constant 16 : i32
          %shift_right_arithmetic3A_343 = vector.broadcast %shift_right_arithmetic3A_342 : i32 to vector<16xi32>
          %shift_right_arithmetic3A_344 = arith.shrsi %get3A_332, %shift_right_arithmetic3A_343 : vector<16xi32>
          %swap3A_345 = arith.constant 1 : i32
          %swap3A_346 = arith.index_cast %swap3A_345 : i32 to index
          %swap3A_347 = arith.constant 16 : index
          %swap3A_348 = tpu.vector_load %arg8[%swap3A_346, %swap3A_347] {strides = array<i32>} : memref<2x48xi32, #tpu.memory_space<vmem>>, vector<1x16xi32>,
          %swap3A_349 = vector.shape_cast %swap3A_348 : vector<1x16xi32> to vector<16xi32>
          %swap3A_350 = vector.shape_cast %shift_right_arithmetic3A_344 : vector<16xi32> to vector<1x16xi32>
          tpu.vector_store %arg8[%swap3A_346, %swap3A_347], %swap3A_350 {strides = array<i32>} : memref<2x48xi32, #tpu.memory_space<vmem>>, vector<1x16xi32>,
          %get3A_351 = arith.index_cast %add3A_310 : i32 to index
          %get3A_352 = arith.constant 32 : index
          %get3A_353 = tpu.vector_load %arg5[%get3A_351, %get3A_352] {strides = array<i32>} : memref<216x48xi32, #tpu.memory_space<vmem>>, vector<1x16xi32>,
          %get3A_354 = vector.shape_cast %get3A_353 : vector<1x16xi32> to vector<16xi32>
          %and3A_355 = arith.constant 65535 : i32
          %and3A_356 = vector.broadcast %and3A_355 : i32 to vector<16xi32>
          %and3A_357 = arith.andi %get3A_354, %and3A_356 : vector<16xi32>
          %swap3A_358 = arith.constant 0 : i32
          %swap3A_359 = arith.index_cast %swap3A_358 : i32 to index
          %swap3A_360 = arith.constant 32 : index
          %swap3A_361 = tpu.vector_load %arg8[%swap3A_359, %swap3A_360] {strides = array<i32>} : memref<2x48xi32, #tpu.memory_space<vmem>>, vector<1x16xi32>,
          %swap3A_362 = vector.shape_cast %swap3A_361 : vector<1x16xi32> to vector<16xi32>
          %swap3A_363 = vector.shape_cast %and3A_357 : vector<16xi32> to vector<1x16xi32>
          tpu.vector_store %arg8[%swap3A_359, %swap3A_360], %swap3A_363 {strides = array<i32>} : memref<2x48xi32, #tpu.memory_space<vmem>>, vector<1x16xi32>,
          %shift_right_arithmetic3A_364 = arith.constant 16 : i32
          %shift_right_arithmetic3A_365 = vector.broadcast %shift_right_arithmetic3A_364 : i32 to vector<16xi32>
          %shift_right_arithmetic3A_366 = arith.shrsi %get3A_354, %shift_right_arithmetic3A_365 : vector<16xi32>
          %swap3A_367 = arith.constant 1 : i32
          %swap3A_368 = arith.index_cast %swap3A_367 : i32 to index
          %swap3A_369 = arith.constant 32 : index
          %swap3A_370 = tpu.vector_load %arg8[%swap3A_368, %swap3A_369] {strides = array<i32>} : memref<2x48xi32, #tpu.memory_space<vmem>>, vector<1x16xi32>,
          %swap3A_371 = vector.shape_cast %swap3A_370 : vector<1x16xi32> to vector<16xi32>
          %swap3A_372 = vector.shape_cast %shift_right_arithmetic3A_366 : vector<16xi32> to vector<1x16xi32>
          tpu.vector_store %arg8[%swap3A_368, %swap3A_369], %swap3A_372 {strides = array<i32>} : memref<2x48xi32, #tpu.memory_space<vmem>>, vector<1x16xi32>,
          %add3A_373 = arith.constant 2 : i32
          %add3A_374 = arith.addi %add3A_234, %add3A_373 : i32
          %dma_start3A_375 = arith.constant 0 : i32
          %dma_start3A_376 = arith.constant 0 : i32
          %dma_start3A_377 = tpu.memref_slice %arg8[%dma_start3A_375, %dma_start3A_376] : memref<2x48xi32, #tpu.memory_space<vmem>> -> memref<1x48xi32, #tpu.memory_space<vmem>>
          %dma_start3A_378 = tpu.memref_squeeze %dma_start3A_377 : memref<1x48xi32, #tpu.memory_space<vmem>> -> memref<48xi32, #tpu.memory_space<vmem>>
          %dma_start3A_379 = arith.constant 0 : i32
          %dma_start3A_380 = arith.constant 0 : i32
          %dma_start3A_381 = tpu.memref_slice %arg2[%dma_start3A_379, %dma_start3A_380] : memref<10000x144xf32, #tpu.memory_space<hbm>> -> memref<10000x144xf32, #tpu.memory_space<hbm>>
          tpu.enqueue_indirect_dma source(%dma_start3A_381 : memref<10000x144xf32, #tpu.memory_space<hbm>>) target(%arg11 : memref<48x144xf32, #tpu.memory_space<vmem>>) offsets(%dma_start3A_378 : memref<48xi32, #tpu.memory_space<vmem>>) semaphore(%arg15 : memref<!tpu.dma_semaphore, #tpu.memory_space<semaphore_mem>>)
        } else {
        }
        %mul3A_255 = arith.constant 3 : i32
        %mul3A_256 = arith.muli %scan3A_230, %mul3A_255 : i32
        %add3A_257 = arith.constant 1 : i32
        %add3A_258 = arith.addi %mul3A_256, %add3A_257 : i32
        %dma_wait3A_259 = arith.constant 0 : i32
        %dma_wait3A_260 = arith.constant 0 : i32
        %dma_wait3A_261 = tpu.memref_slice %arg7[%dma_wait3A_259, %dma_wait3A_260] : memref<2x48xi32, #tpu.memory_space<vmem>> -> memref<1x48xi32, #tpu.memory_space<vmem>>
        %dma_wait3A_262 = tpu.memref_squeeze %dma_wait3A_261 : memref<1x48xi32, #tpu.memory_space<vmem>> -> memref<48xi32, #tpu.memory_space<vmem>>
        %dma_wait3A_263 = arith.constant 0 : i32
        %dma_wait3A_264 = arith.constant 0 : i32
        %dma_wait3A_265 = tpu.memref_slice %arg2[%dma_wait3A_263, %dma_wait3A_264] : memref<10000x144xf32, #tpu.memory_space<hbm>> -> memref<10000x144xf32, #tpu.memory_space<hbm>>
        tpu.wait_indirect_dma semaphore(%arg14 : memref<!tpu.dma_semaphore, #tpu.memory_space<semaphore_mem>>) src(%dma_wait3A_265 : memref<10000x144xf32, #tpu.memory_space<hbm>>) dst(%arg10 : memref<48x144xf32, #tpu.memory_space<vmem>>)
        %dma_start3A_266 = arith.constant 1 : i32
        %dma_start3A_267 = arith.constant 0 : i32
        %dma_start3A_268 = tpu.memref_slice %arg7[%dma_start3A_266, %dma_start3A_267] : memref<2x48xi32, #tpu.memory_space<vmem>> -> memref<1x48xi32, #tpu.memory_space<vmem>>
        %dma_start3A_269 = tpu.memref_squeeze %dma_start3A_268 : memref<1x48xi32, #tpu.memory_space<vmem>> -> memref<48xi32, #tpu.memory_space<vmem>>
        %dma_start3A_270 = arith.constant 0 : i32
        %dma_start3A_271 = arith.constant 0 : i32
        %dma_start3A_272 = tpu.memref_slice %arg12[%dma_start3A_270, %dma_start3A_271] : memref<10240x144xf32, #tpu.memory_space<vmem_shared>> -> memref<10240x144xf32, #tpu.memory_space<vmem_shared>>
        tpu.enqueue_indirect_dma source(%arg10 : memref<48x144xf32, #tpu.memory_space<vmem>>) target(%dma_start3A_272 : memref<10240x144xf32, #tpu.memory_space<vmem_shared>>) offsets(%dma_start3A_269 : memref<48xi32, #tpu.memory_space<vmem>>) semaphore(%arg17 : memref<!tpu.dma_semaphore, #tpu.memory_space<semaphore_mem>>) {add = true}
        %add3A_273 = arith.constant 2 : i32
        %add3A_274 = arith.addi %add3A_258, %add3A_273 : i32
        %lt3A_275 = arith.constant 201 : i32
        %lt3A_276 = arith.cmpi slt, %add3A_274, %lt3A_275 : i32
        %convert_element_type3A_277 = arith.extui %lt3A_276 : i1 to i32
        %cond3A_278 = arith.constant 0 : i32
        %cond3A_279 = arith.cmpi ne, %convert_element_type3A_277, %cond3A_278 : i32
        scf.if %cond3A_279 {
          %ge3A = arith.constant 1 : i32
          %ge3A_305 = arith.cmpi sge, %add3A_258, %ge3A : i32
          %convert_element_type3A_306 = arith.extui %ge3A_305 : i1 to i32
          %cond3A_307 = arith.constant 0 : i32
          %cond3A_308 = arith.cmpi ne, %convert_element_type3A_306, %cond3A_307 : i32
          scf.if %cond3A_308 {
            %sub3A_382 = arith.constant 1 : i32
            %sub3A_383 = arith.subi %add3A_258, %sub3A_382 : i32
            %dma_wait3A_384 = arith.constant 1 : i32
            %dma_wait3A_385 = arith.constant 0 : i32
            %dma_wait3A_386 = tpu.memref_slice %arg6[%dma_wait3A_384, %dma_wait3A_385] : memref<2x48xi32, #tpu.memory_space<vmem>> -> memref<1x48xi32, #tpu.memory_space<vmem>>
            %dma_wait3A_387 = tpu.memref_squeeze %dma_wait3A_386 : memref<1x48xi32, #tpu.memory_space<vmem>> -> memref<48xi32, #tpu.memory_space<vmem>>
            %dma_wait3A_388 = arith.constant 0 : i32
            %dma_wait3A_389 = arith.constant 0 : i32
            %dma_wait3A_390 = tpu.memref_slice %arg12[%dma_wait3A_388, %dma_wait3A_389] : memref<10240x144xf32, #tpu.memory_space<vmem_shared>> -> memref<10240x144xf32, #tpu.memory_space<vmem_shared>>
            tpu.wait_indirect_dma semaphore(%arg16 : memref<!tpu.dma_semaphore, #tpu.memory_space<semaphore_mem>>) src(%arg9 : memref<48x144xf32, #tpu.memory_space<vmem>>) dst(%dma_wait3A_390 : memref<10240x144xf32, #tpu.memory_space<vmem_shared>>)
          } else {
          }
          %add3A_309 = arith.constant 2 : i32
          %add3A_310 = arith.addi %add3A_258, %add3A_309 : i32
          %get3A = arith.index_cast %add3A_310 : i32 to index
          %get3A_311 = arith.constant 0 : index
          %get3A_312 = tpu.vector_load %arg5[%get3A, %get3A_311] {strides = array<i32>} : memref<216x48xi32, #tpu.memory_space<vmem>>, vector<1x16xi32>,
          %get3A_313 = vector.shape_cast %get3A_312 : vector<1x16xi32> to vector<16xi32>
          %and3A = arith.constant 65535 : i32
          %and3A_314 = vector.broadcast %and3A : i32 to vector<16xi32>
          %and3A_315 = arith.andi %get3A_313, %and3A_314 : vector<16xi32>
          %swap3A = arith.constant 0 : i32
          %swap3A_316 = arith.index_cast %swap3A : i32 to index
          %swap3A_317 = arith.constant 0 : index
          %swap3A_318 = tpu.vector_load %arg6[%swap3A_316, %swap3A_317] {strides = array<i32>} : memref<2x48xi32, #tpu.memory_space<vmem>>, vector<1x16xi32>,
          %swap3A_319 = vector.shape_cast %swap3A_318 : vector<1x16xi32> to vector<16xi32>
          %swap3A_320 = vector.shape_cast %and3A_315 : vector<16xi32> to vector<1x16xi32>
          tpu.vector_store %arg6[%swap3A_316, %swap3A_317], %swap3A_320 {strides = array<i32>} : memref<2x48xi32, #tpu.memory_space<vmem>>, vector<1x16xi32>,
          %shift_right_arithmetic3A = arith.constant 16 : i32
          %shift_right_arithmetic3A_321 = vector.broadcast %shift_right_arithmetic3A : i32 to vector<16xi32>
          %shift_right_arithmetic3A_322 = arith.shrsi %get3A_313, %shift_right_arithmetic3A_321 : vector<16xi32>
          %swap3A_323 = arith.constant 1 : i32
          %swap3A_324 = arith.index_cast %swap3A_323 : i32 to index
          %swap3A_325 = arith.constant 0 : index
          %swap3A_326 = tpu.vector_load %arg6[%swap3A_324, %swap3A_325] {strides = array<i32>} : memref<2x48xi32, #tpu.memory_space<vmem>>, vector<1x16xi32>,
          %swap3A_327 = vector.shape_cast %swap3A_326 : vector<1x16xi32> to vector<16xi32>
          %swap3A_328 = vector.shape_cast %shift_right_arithmetic3A_322 : vector<16xi32> to vector<1x16xi32>
          tpu.vector_store %arg6[%swap3A_324, %swap3A_325], %swap3A_328 {strides = array<i32>} : memref<2x48xi32, #tpu.memory_space<vmem>>, vector<1x16xi32>,
          %get3A_329 = arith.index_cast %add3A_310 : i32 to index
          %get3A_330 = arith.constant 16 : index
          %get3A_331 = tpu.vector_load %arg5[%get3A_329, %get3A_330] {strides = array<i32>} : memref<216x48xi32, #tpu.memory_space<vmem>>, vector<1x16xi32>,
          %get3A_332 = vector.shape_cast %get3A_331 : vector<1x16xi32> to vector<16xi32>
          %and3A_333 = arith.constant 65535 : i32
          %and3A_334 = vector.broadcast %and3A_333 : i32 to vector<16xi32>
          %and3A_335 = arith.andi %get3A_332, %and3A_334 : vector<16xi32>
          %swap3A_336 = arith.constant 0 : i32
          %swap3A_337 = arith.index_cast %swap3A_336 : i32 to index
          %swap3A_338 = arith.constant 16 : index
          %swap3A_339 = tpu.vector_load %arg6[%swap3A_337, %swap3A_338] {strides = array<i32>} : memref<2x48xi32, #tpu.memory_space<vmem>>, vector<1x16xi32>,
          %swap3A_340 = vector.shape_cast %swap3A_339 : vector<1x16xi32> to vector<16xi32>
          %swap3A_341 = vector.shape_cast %and3A_335 : vector<16xi32> to vector<1x16xi32>
          tpu.vector_store %arg6[%swap3A_337, %swap3A_338], %swap3A_341 {strides = array<i32>} : memref<2x48xi32, #tpu.memory_space<vmem>>, vector<1x16xi32>,
          %shift_right_arithmetic3A_342 = arith.constant 16 : i32
          %shift_right_arithmetic3A_343 = vector.broadcast %shift_right_arithmetic3A_342 : i32 to vector<16xi32>
          %shift_right_arithmetic3A_344 = arith.shrsi %get3A_332, %shift_right_arithmetic3A_343 : vector<16xi32>
          %swap3A_345 = arith.constant 1 : i32
          %swap3A_346 = arith.index_cast %swap3A_345 : i32 to index
          %swap3A_347 = arith.constant 16 : index
          %swap3A_348 = tpu.vector_load %arg6[%swap3A_346, %swap3A_347] {strides = array<i32>} : memref<2x48xi32, #tpu.memory_space<vmem>>, vector<1x16xi32>,
          %swap3A_349 = vector.shape_cast %swap3A_348 : vector<1x16xi32> to vector<16xi32>
          %swap3A_350 = vector.shape_cast %shift_right_arithmetic3A_344 : vector<16xi32> to vector<1x16xi32>
          tpu.vector_store %arg6[%swap3A_346, %swap3A_347], %swap3A_350 {strides = array<i32>} : memref<2x48xi32, #tpu.memory_space<vmem>>, vector<1x16xi32>,
          %get3A_351 = arith.index_cast %add3A_310 : i32 to index
          %get3A_352 = arith.constant 32 : index
          %get3A_353 = tpu.vector_load %arg5[%get3A_351, %get3A_352] {strides = array<i32>} : memref<216x48xi32, #tpu.memory_space<vmem>>, vector<1x16xi32>,
          %get3A_354 = vector.shape_cast %get3A_353 : vector<1x16xi32> to vector<16xi32>
          %and3A_355 = arith.constant 65535 : i32
          %and3A_356 = vector.broadcast %and3A_355 : i32 to vector<16xi32>
          %and3A_357 = arith.andi %get3A_354, %and3A_356 : vector<16xi32>
          %swap3A_358 = arith.constant 0 : i32
          %swap3A_359 = arith.index_cast %swap3A_358 : i32 to index
          %swap3A_360 = arith.constant 32 : index
          %swap3A_361 = tpu.vector_load %arg6[%swap3A_359, %swap3A_360] {strides = array<i32>} : memref<2x48xi32, #tpu.memory_space<vmem>>, vector<1x16xi32>,
          %swap3A_362 = vector.shape_cast %swap3A_361 : vector<1x16xi32> to vector<16xi32>
          %swap3A_363 = vector.shape_cast %and3A_357 : vector<16xi32> to vector<1x16xi32>
          tpu.vector_store %arg6[%swap3A_359, %swap3A_360], %swap3A_363 {strides = array<i32>} : memref<2x48xi32, #tpu.memory_space<vmem>>, vector<1x16xi32>,
          %shift_right_arithmetic3A_364 = arith.constant 16 : i32
          %shift_right_arithmetic3A_365 = vector.broadcast %shift_right_arithmetic3A_364 : i32 to vector<16xi32>
          %shift_right_arithmetic3A_366 = arith.shrsi %get3A_354, %shift_right_arithmetic3A_365 : vector<16xi32>
          %swap3A_367 = arith.constant 1 : i32
          %swap3A_368 = arith.index_cast %swap3A_367 : i32 to index
          %swap3A_369 = arith.constant 32 : index
          %swap3A_370 = tpu.vector_load %arg6[%swap3A_368, %swap3A_369] {strides = array<i32>} : memref<2x48xi32, #tpu.memory_space<vmem>>, vector<1x16xi32>,
          %swap3A_371 = vector.shape_cast %swap3A_370 : vector<1x16xi32> to vector<16xi32>
          %swap3A_372 = vector.shape_cast %shift_right_arithmetic3A_366 : vector<16xi32> to vector<1x16xi32>
          tpu.vector_store %arg6[%swap3A_368, %swap3A_369], %swap3A_372 {strides = array<i32>} : memref<2x48xi32, #tpu.memory_space<vmem>>, vector<1x16xi32>,
          %add3A_373 = arith.constant 2 : i32
          %add3A_374 = arith.addi %add3A_258, %add3A_373 : i32
          %dma_start3A_375 = arith.constant 0 : i32
          %dma_start3A_376 = arith.constant 0 : i32
          %dma_start3A_377 = tpu.memref_slice %arg6[%dma_start3A_375, %dma_start3A_376] : memref<2x48xi32, #tpu.memory_space<vmem>> -> memref<1x48xi32, #tpu.memory_space<vmem>>
          %dma_start3A_378 = tpu.memref_squeeze %dma_start3A_377 : memref<1x48xi32, #tpu.memory_space<vmem>> -> memref<48xi32, #tpu.memory_space<vmem>>
          %dma_start3A_379 = arith.constant 0 : i32
          %dma_start3A_380 = arith.constant 0 : i32
          %dma_start3A_381 = tpu.memref_slice %arg2[%dma_start3A_379, %dma_start3A_380] : memref<10000x144xf32, #tpu.memory_space<hbm>> -> memref<10000x144xf32, #tpu.memory_space<hbm>>
          tpu.enqueue_indirect_dma source(%dma_start3A_381 : memref<10000x144xf32, #tpu.memory_space<hbm>>) target(%arg9 : memref<48x144xf32, #tpu.memory_space<vmem>>) offsets(%dma_start3A_378 : memref<48xi32, #tpu.memory_space<vmem>>) semaphore(%arg13 : memref<!tpu.dma_semaphore, #tpu.memory_space<semaphore_mem>>)
        } else {
        }
        %mul3A_280 = arith.constant 3 : i32
        %mul3A_281 = arith.muli %scan3A_230, %mul3A_280 : i32
        %add3A_282 = arith.constant 2 : i32
        %add3A_283 = arith.addi %mul3A_281, %add3A_282 : i32
        %dma_wait3A_284 = arith.constant 0 : i32
        %dma_wait3A_285 = arith.constant 0 : i32
        %dma_wait3A_286 = tpu.memref_slice %arg8[%dma_wait3A_284, %dma_wait3A_285] : memref<2x48xi32, #tpu.memory_space<vmem>> -> memref<1x48xi32, #tpu.memory_space<vmem>>
        %dma_wait3A_287 = tpu.memref_squeeze %dma_wait3A_286 : memref<1x48xi32, #tpu.memory_space<vmem>> -> memref<48xi32, #tpu.memory_space<vmem>>
        %dma_wait3A_288 = arith.constant 0 : i32
        %dma_wait3A_289 = arith.constant 0 : i32
        %dma_wait3A_290 = tpu.memref_slice %arg2[%dma_wait3A_288, %dma_wait3A_289] : memref<10000x144xf32, #tpu.memory_space<hbm>> -> memref<10000x144xf32, #tpu.memory_space<hbm>>
        tpu.wait_indirect_dma semaphore(%arg15 : memref<!tpu.dma_semaphore, #tpu.memory_space<semaphore_mem>>) src(%dma_wait3A_290 : memref<10000x144xf32, #tpu.memory_space<hbm>>) dst(%arg11 : memref<48x144xf32, #tpu.memory_space<vmem>>)
        %dma_start3A_291 = arith.constant 1 : i32
        %dma_start3A_292 = arith.constant 0 : i32
        %dma_start3A_293 = tpu.memref_slice %arg8[%dma_start3A_291, %dma_start3A_292] : memref<2x48xi32, #tpu.memory_space<vmem>> -> memref<1x48xi32, #tpu.memory_space<vmem>>
        %dma_start3A_294 = tpu.memref_squeeze %dma_start3A_293 : memref<1x48xi32, #tpu.memory_space<vmem>> -> memref<48xi32, #tpu.memory_space<vmem>>
        %dma_start3A_295 = arith.constant 0 : i32
        %dma_start3A_296 = arith.constant 0 : i32
        %dma_start3A_297 = tpu.memref_slice %arg12[%dma_start3A_295, %dma_start3A_296] : memref<10240x144xf32, #tpu.memory_space<vmem_shared>> -> memref<10240x144xf32, #tpu.memory_space<vmem_shared>>
        tpu.enqueue_indirect_dma source(%arg11 : memref<48x144xf32, #tpu.memory_space<vmem>>) target(%dma_start3A_297 : memref<10240x144xf32, #tpu.memory_space<vmem_shared>>) offsets(%dma_start3A_294 : memref<48xi32, #tpu.memory_space<vmem>>) semaphore(%arg18 : memref<!tpu.dma_semaphore, #tpu.memory_space<semaphore_mem>>) {add = true}
        %add3A_298 = arith.constant 2 : i32
        %add3A_299 = arith.addi %add3A_283, %add3A_298 : i32
        %lt3A_300 = arith.constant 201 : i32
        %lt3A_301 = arith.cmpi slt, %add3A_299, %lt3A_300 : i32
        %convert_element_type3A_302 = arith.extui %lt3A_301 : i1 to i32
        %cond3A_303 = arith.constant 0 : i32
        %cond3A_304 = arith.cmpi ne, %convert_element_type3A_302, %cond3A_303 : i32
        scf.if %cond3A_304 {
          %ge3A = arith.constant 1 : i32
          %ge3A_305 = arith.cmpi sge, %add3A_283, %ge3A : i32
          %convert_element_type3A_306 = arith.extui %ge3A_305 : i1 to i32
          %cond3A_307 = arith.constant 0 : i32
          %cond3A_308 = arith.cmpi ne, %convert_element_type3A_306, %cond3A_307 : i32
          scf.if %cond3A_308 {
            %sub3A_382 = arith.constant 1 : i32
            %sub3A_383 = arith.subi %add3A_283, %sub3A_382 : i32
            %dma_wait3A_384 = arith.constant 1 : i32
            %dma_wait3A_385 = arith.constant 0 : i32
            %dma_wait3A_386 = tpu.memref_slice %arg7[%dma_wait3A_384, %dma_wait3A_385] : memref<2x48xi32, #tpu.memory_space<vmem>> -> memref<1x48xi32, #tpu.memory_space<vmem>>
            %dma_wait3A_387 = tpu.memref_squeeze %dma_wait3A_386 : memref<1x48xi32, #tpu.memory_space<vmem>> -> memref<48xi32, #tpu.memory_space<vmem>>
            %dma_wait3A_388 = arith.constant 0 : i32
            %dma_wait3A_389 = arith.constant 0 : i32
            %dma_wait3A_390 = tpu.memref_slice %arg12[%dma_wait3A_388, %dma_wait3A_389] : memref<10240x144xf32, #tpu.memory_space<vmem_shared>> -> memref<10240x144xf32, #tpu.memory_space<vmem_shared>>
            tpu.wait_indirect_dma semaphore(%arg17 : memref<!tpu.dma_semaphore, #tpu.memory_space<semaphore_mem>>) src(%arg10 : memref<48x144xf32, #tpu.memory_space<vmem>>) dst(%dma_wait3A_390 : memref<10240x144xf32, #tpu.memory_space<vmem_shared>>)
          } else {
          }
          %add3A_309 = arith.constant 2 : i32
          %add3A_310 = arith.addi %add3A_283, %add3A_309 : i32
          %get3A = arith.index_cast %add3A_310 : i32 to index
          %get3A_311 = arith.constant 0 : index
          %get3A_312 = tpu.vector_load %arg5[%get3A, %get3A_311] {strides = array<i32>} : memref<216x48xi32, #tpu.memory_space<vmem>>, vector<1x16xi32>,
          %get3A_313 = vector.shape_cast %get3A_312 : vector<1x16xi32> to vector<16xi32>
          %and3A = arith.constant 65535 : i32
          %and3A_314 = vector.broadcast %and3A : i32 to vector<16xi32>
          %and3A_315 = arith.andi %get3A_313, %and3A_314 : vector<16xi32>
          %swap3A = arith.constant 0 : i32
          %swap3A_316 = arith.index_cast %swap3A : i32 to index
          %swap3A_317 = arith.constant 0 : index
          %swap3A_318 = tpu.vector_load %arg7[%swap3A_316, %swap3A_317] {strides = array<i32>} : memref<2x48xi32, #tpu.memory_space<vmem>>, vector<1x16xi32>,
          %swap3A_319 = vector.shape_cast %swap3A_318 : vector<1x16xi32> to vector<16xi32>
          %swap3A_320 = vector.shape_cast %and3A_315 : vector<16xi32> to vector<1x16xi32>
          tpu.vector_store %arg7[%swap3A_316, %swap3A_317], %swap3A_320 {strides = array<i32>} : memref<2x48xi32, #tpu.memory_space<vmem>>, vector<1x16xi32>,
          %shift_right_arithmetic3A = arith.constant 16 : i32
          %shift_right_arithmetic3A_321 = vector.broadcast %shift_right_arithmetic3A : i32 to vector<16xi32>
          %shift_right_arithmetic3A_322 = arith.shrsi %get3A_313, %shift_right_arithmetic3A_321 : vector<16xi32>
          %swap3A_323 = arith.constant 1 : i32
          %swap3A_324 = arith.index_cast %swap3A_323 : i32 to index
          %swap3A_325 = arith.constant 0 : index
          %swap3A_326 = tpu.vector_load %arg7[%swap3A_324, %swap3A_325] {strides = array<i32>} : memref<2x48xi32, #tpu.memory_space<vmem>>, vector<1x16xi32>,
          %swap3A_327 = vector.shape_cast %swap3A_326 : vector<1x16xi32> to vector<16xi32>
          %swap3A_328 = vector.shape_cast %shift_right_arithmetic3A_322 : vector<16xi32> to vector<1x16xi32>
          tpu.vector_store %arg7[%swap3A_324, %swap3A_325], %swap3A_328 {strides = array<i32>} : memref<2x48xi32, #tpu.memory_space<vmem>>, vector<1x16xi32>,
          %get3A_329 = arith.index_cast %add3A_310 : i32 to index
          %get3A_330 = arith.constant 16 : index
          %get3A_331 = tpu.vector_load %arg5[%get3A_329, %get3A_330] {strides = array<i32>} : memref<216x48xi32, #tpu.memory_space<vmem>>, vector<1x16xi32>,
          %get3A_332 = vector.shape_cast %get3A_331 : vector<1x16xi32> to vector<16xi32>
          %and3A_333 = arith.constant 65535 : i32
          %and3A_334 = vector.broadcast %and3A_333 : i32 to vector<16xi32>
          %and3A_335 = arith.andi %get3A_332, %and3A_334 : vector<16xi32>
          %swap3A_336 = arith.constant 0 : i32
          %swap3A_337 = arith.index_cast %swap3A_336 : i32 to index
          %swap3A_338 = arith.constant 16 : index
          %swap3A_339 = tpu.vector_load %arg7[%swap3A_337, %swap3A_338] {strides = array<i32>} : memref<2x48xi32, #tpu.memory_space<vmem>>, vector<1x16xi32>,
          %swap3A_340 = vector.shape_cast %swap3A_339 : vector<1x16xi32> to vector<16xi32>
          %swap3A_341 = vector.shape_cast %and3A_335 : vector<16xi32> to vector<1x16xi32>
          tpu.vector_store %arg7[%swap3A_337, %swap3A_338], %swap3A_341 {strides = array<i32>} : memref<2x48xi32, #tpu.memory_space<vmem>>, vector<1x16xi32>,
          %shift_right_arithmetic3A_342 = arith.constant 16 : i32
          %shift_right_arithmetic3A_343 = vector.broadcast %shift_right_arithmetic3A_342 : i32 to vector<16xi32>
          %shift_right_arithmetic3A_344 = arith.shrsi %get3A_332, %shift_right_arithmetic3A_343 : vector<16xi32>
          %swap3A_345 = arith.constant 1 : i32
          %swap3A_346 = arith.index_cast %swap3A_345 : i32 to index
          %swap3A_347 = arith.constant 16 : index
          %swap3A_348 = tpu.vector_load %arg7[%swap3A_346, %swap3A_347] {strides = array<i32>} : memref<2x48xi32, #tpu.memory_space<vmem>>, vector<1x16xi32>,
          %swap3A_349 = vector.shape_cast %swap3A_348 : vector<1x16xi32> to vector<16xi32>
          %swap3A_350 = vector.shape_cast %shift_right_arithmetic3A_344 : vector<16xi32> to vector<1x16xi32>
          tpu.vector_store %arg7[%swap3A_346, %swap3A_347], %swap3A_350 {strides = array<i32>} : memref<2x48xi32, #tpu.memory_space<vmem>>, vector<1x16xi32>,
          %get3A_351 = arith.index_cast %add3A_310 : i32 to index
          %get3A_352 = arith.constant 32 : index
          %get3A_353 = tpu.vector_load %arg5[%get3A_351, %get3A_352] {strides = array<i32>} : memref<216x48xi32, #tpu.memory_space<vmem>>, vector<1x16xi32>,
          %get3A_354 = vector.shape_cast %get3A_353 : vector<1x16xi32> to vector<16xi32>
          %and3A_355 = arith.constant 65535 : i32
          %and3A_356 = vector.broadcast %and3A_355 : i32 to vector<16xi32>
          %and3A_357 = arith.andi %get3A_354, %and3A_356 : vector<16xi32>
          %swap3A_358 = arith.constant 0 : i32
          %swap3A_359 = arith.index_cast %swap3A_358 : i32 to index
          %swap3A_360 = arith.constant 32 : index
          %swap3A_361 = tpu.vector_load %arg7[%swap3A_359, %swap3A_360] {strides = array<i32>} : memref<2x48xi32, #tpu.memory_space<vmem>>, vector<1x16xi32>,
          %swap3A_362 = vector.shape_cast %swap3A_361 : vector<1x16xi32> to vector<16xi32>
          %swap3A_363 = vector.shape_cast %and3A_357 : vector<16xi32> to vector<1x16xi32>
          tpu.vector_store %arg7[%swap3A_359, %swap3A_360], %swap3A_363 {strides = array<i32>} : memref<2x48xi32, #tpu.memory_space<vmem>>, vector<1x16xi32>,
          %shift_right_arithmetic3A_364 = arith.constant 16 : i32
          %shift_right_arithmetic3A_365 = vector.broadcast %shift_right_arithmetic3A_364 : i32 to vector<16xi32>
          %shift_right_arithmetic3A_366 = arith.shrsi %get3A_354, %shift_right_arithmetic3A_365 : vector<16xi32>
          %swap3A_367 = arith.constant 1 : i32
          %swap3A_368 = arith.index_cast %swap3A_367 : i32 to index
          %swap3A_369 = arith.constant 32 : index
          %swap3A_370 = tpu.vector_load %arg7[%swap3A_368, %swap3A_369] {strides = array<i32>} : memref<2x48xi32, #tpu.memory_space<vmem>>, vector<1x16xi32>,
          %swap3A_371 = vector.shape_cast %swap3A_370 : vector<1x16xi32> to vector<16xi32>
          %swap3A_372 = vector.shape_cast %shift_right_arithmetic3A_366 : vector<16xi32> to vector<1x16xi32>
          tpu.vector_store %arg7[%swap3A_368, %swap3A_369], %swap3A_372 {strides = array<i32>} : memref<2x48xi32, #tpu.memory_space<vmem>>, vector<1x16xi32>,
          %add3A_373 = arith.constant 2 : i32
          %add3A_374 = arith.addi %add3A_283, %add3A_373 : i32
          %dma_start3A_375 = arith.constant 0 : i32
          %dma_start3A_376 = arith.constant 0 : i32
          %dma_start3A_377 = tpu.memref_slice %arg7[%dma_start3A_375, %dma_start3A_376] : memref<2x48xi32, #tpu.memory_space<vmem>> -> memref<1x48xi32, #tpu.memory_space<vmem>>
          %dma_start3A_378 = tpu.memref_squeeze %dma_start3A_377 : memref<1x48xi32, #tpu.memory_space<vmem>> -> memref<48xi32, #tpu.memory_space<vmem>>
          %dma_start3A_379 = arith.constant 0 : i32
          %dma_start3A_380 = arith.constant 0 : i32
          %dma_start3A_381 = tpu.memref_slice %arg2[%dma_start3A_379, %dma_start3A_380] : memref<10000x144xf32, #tpu.memory_space<hbm>> -> memref<10000x144xf32, #tpu.memory_space<hbm>>
          tpu.enqueue_indirect_dma source(%dma_start3A_381 : memref<10000x144xf32, #tpu.memory_space<hbm>>) target(%arg10 : memref<48x144xf32, #tpu.memory_space<vmem>>) offsets(%dma_start3A_378 : memref<48xi32, #tpu.memory_space<vmem>>) semaphore(%arg14 : memref<!tpu.dma_semaphore, #tpu.memory_space<semaphore_mem>>)
        } else {
        }
      }
      %scan3A_208 = arith.constant 67 : i32
      %dma_wait3A_209 = arith.constant 1 : i32
      %dma_wait3A_210 = arith.constant 0 : i32
      %dma_wait3A_211 = tpu.memref_slice %arg6[%dma_wait3A_209, %dma_wait3A_210] : memref<2x48xi32, #tpu.memory_space<vmem>> -> memref<1x48xi32, #tpu.memory_space<vmem>>
      %dma_wait3A_212 = tpu.memref_squeeze %dma_wait3A_211 : memref<1x48xi32, #tpu.memory_space<vmem>> -> memref<48xi32, #tpu.memory_space<vmem>>
      %dma_wait3A_213 = arith.constant 0 : i32
      %dma_wait3A_214 = arith.constant 0 : i32
      %dma_wait3A_215 = tpu.memref_slice %arg12[%dma_wait3A_213, %dma_wait3A_214] : memref<10240x144xf32, #tpu.memory_space<vmem_shared>> -> memref<10240x144xf32, #tpu.memory_space<vmem_shared>>
      tpu.wait_indirect_dma semaphore(%arg16 : memref<!tpu.dma_semaphore, #tpu.memory_space<semaphore_mem>>) src(%arg9 : memref<48x144xf32, #tpu.memory_space<vmem>>) dst(%dma_wait3A_215 : memref<10240x144xf32, #tpu.memory_space<vmem_shared>>)
      %dma_wait3A_216 = arith.constant 1 : i32
      %dma_wait3A_217 = arith.constant 0 : i32
      %dma_wait3A_218 = tpu.memref_slice %arg7[%dma_wait3A_216, %dma_wait3A_217] : memref<2x48xi32, #tpu.memory_space<vmem>> -> memref<1x48xi32, #tpu.memory_space<vmem>>
      %dma_wait3A_219 = tpu.memref_squeeze %dma_wait3A_218 : memref<1x48xi32, #tpu.memory_space<vmem>> -> memref<48xi32, #tpu.memory_space<vmem>>
      %dma_wait3A_220 = arith.constant 0 : i32
      %dma_wait3A_221 = arith.constant 0 : i32
      %dma_wait3A_222 = tpu.memref_slice %arg12[%dma_wait3A_220, %dma_wait3A_221] : memref<10240x144xf32, #tpu.memory_space<vmem_shared>> -> memref<10240x144xf32, #tpu.memory_space<vmem_shared>>
      tpu.wait_indirect_dma semaphore(%arg17 : memref<!tpu.dma_semaphore, #tpu.memory_space<semaphore_mem>>) src(%arg10 : memref<48x144xf32, #tpu.memory_space<vmem>>) dst(%dma_wait3A_222 : memref<10240x144xf32, #tpu.memory_space<vmem_shared>>)
      %dma_wait3A_223 = arith.constant 1 : i32
      %dma_wait3A_224 = arith.constant 0 : i32
      %dma_wait3A_225 = tpu.memref_slice %arg8[%dma_wait3A_223, %dma_wait3A_224] : memref<2x48xi32, #tpu.memory_space<vmem>> -> memref<1x48xi32, #tpu.memory_space<vmem>>
      %dma_wait3A_226 = tpu.memref_squeeze %dma_wait3A_225 : memref<1x48xi32, #tpu.memory_space<vmem>> -> memref<48xi32, #tpu.memory_space<vmem>>
      %dma_wait3A_227 = arith.constant 0 : i32
      %dma_wait3A_228 = arith.constant 0 : i32
      %dma_wait3A_229 = tpu.memref_slice %arg12[%dma_wait3A_227, %dma_wait3A_228] : memref<10240x144xf32, #tpu.memory_space<vmem_shared>> -> memref<10240x144xf32, #tpu.memory_space<vmem_shared>>
      tpu.wait_indirect_dma semaphore(%arg18 : memref<!tpu.dma_semaphore, #tpu.memory_space<semaphore_mem>>) src(%arg11 : memref<48x144xf32, #tpu.memory_space<vmem>>) dst(%dma_wait3A_229 : memref<10240x144xf32, #tpu.memory_space<vmem_shared>>)
    } else {
    }
    %barrier3A_200 = arith.constant 0 : index
    tpu.barrier barrier_id(%barrier3A_200)
    %mul3A_201 = arith.constant 640 : i32
    %mul3A_202 = arith.muli %arg1, %mul3A_201 : i32
    "tpu.region"() ({
      %run_scoped3A = tpu.sem_alloc : memref<!tpu.dma_semaphore, #tpu.memory_space<semaphore_mem>>
      %dma_start3A_203 = arith.constant 0 : i32
      %dma_start3A_204 = tpu.memref_slice %arg4[%arg0, %mul3A_202, %dma_start3A_203] : memref<2x10240x144xf32, #tpu.memory_space<hbm>> -> memref<1x640x144xf32, #tpu.memory_space<hbm>>
      %dma_start3A_205 = tpu.memref_squeeze %dma_start3A_204 : memref<1x640x144xf32, #tpu.memory_space<hbm>> -> memref<640x144xf32, #tpu.memory_space<hbm>>
      %dma_start3A_206 = arith.constant 0 : i32
      %dma_start3A_207 = tpu.memref_slice %arg12[%mul3A_202, %dma_start3A_206] : memref<10240x144xf32, #tpu.memory_space<vmem_shared>> -> memref<640x144xf32, #tpu.memory_space<vmem_shared>>
      tpu.enqueue_dma source(%dma_start3A_207 : memref<640x144xf32, #tpu.memory_space<vmem_shared>>) target(%dma_start3A_205 : memref<640x144xf32, #tpu.memory_space<hbm>>) target_semaphore(%run_scoped3A : memref<!tpu.dma_semaphore, #tpu.memory_space<semaphore_mem>>)
      %dma_wait3A_208 = arith.constant 0 : i32
      %dma_wait3A_209 = tpu.memref_slice %arg4[%arg0, %mul3A_202, %dma_wait3A_208] : memref<2x10240x144xf32, #tpu.memory_space<hbm>> -> memref<1x640x144xf32, #tpu.memory_space<hbm>>
      %dma_wait3A_210 = tpu.memref_squeeze %dma_wait3A_209 : memref<1x640x144xf32, #tpu.memory_space<hbm>> -> memref<640x144xf32, #tpu.memory_space<hbm>>
      %dma_wait3A_211 = arith.constant 0 : i32
      %dma_wait3A_212 = tpu.memref_slice %arg12[%mul3A_202, %dma_wait3A_211] : memref<10240x144xf32, #tpu.memory_space<vmem_shared>> -> memref<640x144xf32, #tpu.memory_space<vmem_shared>>
      tpu.wait_dma2 semaphore(%run_scoped3A : memref<!tpu.dma_semaphore, #tpu.memory_space<semaphore_mem>>) src(%dma_wait3A_212 : memref<640x144xf32, #tpu.memory_space<vmem_shared>>) dst(%dma_wait3A_210 : memref<640x144xf32, #tpu.memory_space<hbm>>)
      tpu.yield
    }) : () -> ()
    return
  }
}

module attributes {stable_mosaic.version = 14 : i64} {
  func.func @_finish_body(%arg0: i32, %arg1: memref<2x400x144xf32, #tpu.memory_space<vmem>>, %arg2: memref<400x128xf32, #tpu.memory_space<vmem>>, %arg3: memref<400x256xf32, #tpu.memory_space<vmem>>) attributes {dimension_semantics = [#tpu.dimension_semantics<arbitrary>], iteration_bounds = array<i64: 25>, scalar_prefetch = 0 : i64, scratch_operands = 0 : i64, tpu.core_type = #tpu.core_type<tc>, window_params = [{transform_indices = @transform_0, window_bounds = array<i64: 2, 400, 144>}, {transform_indices = @transform_1, window_bounds = array<i64: 400, 128>}, {transform_indices = @transform_2, window_bounds = array<i64: 400, 256>}]} {
    %get3A = arith.constant 0 : index
    %get3A_0 = arith.constant 0 : index
    %get3A_1 = arith.constant 0 : index
    %get3A_2 = vector.load %arg1[%get3A, %get3A_0, %get3A_1] : memref<2x400x144xf32, #tpu.memory_space<vmem>>, vector<1x400x144xf32>
    %get3A_3 = vector.shape_cast %get3A_2 : vector<1x400x144xf32> to vector<400x144xf32>
    %get3A_4 = arith.constant 1 : index
    %get3A_5 = arith.constant 0 : index
    %get3A_6 = arith.constant 0 : index
    %get3A_7 = vector.load %arg1[%get3A_4, %get3A_5, %get3A_6] : memref<2x400x144xf32, #tpu.memory_space<vmem>>, vector<1x400x144xf32>
    %get3A_8 = vector.shape_cast %get3A_7 : vector<1x400x144xf32> to vector<400x144xf32>
    %slice3A = vector.extract_strided_slice %get3A_3 {offsets = [0, 128], sizes = [400, 1], strides = [1, 1]} : vector<400x144xf32> to vector<400x1xf32>
    %slice3A_9 = vector.extract_strided_slice %get3A_8 {offsets = [0, 128], sizes = [400, 1], strides = [1, 1]} : vector<400x144xf32> to vector<400x1xf32>
    %add3A = arith.addf %slice3A, %slice3A_9 : vector<400x1xf32>
    %slice3A_10 = vector.extract_strided_slice %get3A_3 {offsets = [0, 0], sizes = [400, 128], strides = [1, 1]} : vector<400x144xf32> to vector<400x128xf32>
    %slice3A_11 = vector.extract_strided_slice %get3A_8 {offsets = [0, 0], sizes = [400, 128], strides = [1, 1]} : vector<400x144xf32> to vector<400x128xf32>
    %add3A_12 = arith.addf %slice3A_10, %slice3A_11 : vector<400x128xf32>
    %max3A = arith.constant 1.000000e+00 : f32
    %max3A_13 = vector.broadcast %max3A : f32 to vector<400x1xf32>
    %max3A_14 = arith.maximumf %add3A, %max3A_13 : vector<400x1xf32>
    %div3A = vector.broadcast %max3A_14 : vector<400x1xf32> to vector<400x128xf32>
    %div3A_15 = arith.divf %add3A_12, %div3A : vector<400x128xf32>
    %swap3A = arith.constant 0 : index
    %swap3A_16 = arith.constant 0 : index
    %swap3A_17 = vector.load %arg3[%swap3A, %swap3A_16] : memref<400x256xf32, #tpu.memory_space<vmem>>, vector<400x128xf32>
    tpu.vector_store %arg3[%swap3A, %swap3A_16], %div3A_15 {strides = array<i32>} : memref<400x256xf32, #tpu.memory_space<vmem>>, vector<400x128xf32>,
    %gt3A = arith.constant 0.000000e+00 : f32
    %gt3A_18 = vector.broadcast %gt3A : f32 to vector<400x1xf32>
    %gt3A_19 = arith.cmpf ogt, %add3A, %gt3A_18 : vector<400x1xf32>
    %get3A_20 = arith.constant 0 : index
    %get3A_21 = arith.constant 0 : index
    %get3A_22 = vector.load %arg2[%get3A_20, %get3A_21] : memref<400x128xf32, #tpu.memory_space<vmem>>, vector<400x128xf32>
    %jit3A = arith.constant 0.000000e+00 : f32
    %broadcast_in_dim3A = vector.shape_cast %gt3A_19 : vector<400x1xi1> to vector<400x1xi1>
    %broadcast_in_dim3A_23 = vector.broadcast %broadcast_in_dim3A : vector<400x1xi1> to vector<400x128xi1>
    %broadcast_in_dim3A_24 = vector.broadcast %jit3A : f32 to vector<400x128xf32>
    %select_n3A = arith.select %broadcast_in_dim3A_23, %get3A_22, %broadcast_in_dim3A_24 : vector<400x128xi1>, vector<400x128xf32>
    %swap3A_25 = arith.constant 0 : index
    %swap3A_26 = arith.constant 128 : index
    %swap3A_27 = vector.load %arg3[%swap3A_25, %swap3A_26] : memref<400x256xf32, #tpu.memory_space<vmem>>, vector<400x128xf32>
    tpu.vector_store %arg3[%swap3A_25, %swap3A_26], %select_n3A {strides = array<i32>} : memref<400x256xf32, #tpu.memory_space<vmem>>, vector<400x128xf32>,
    return
  }
  func.func @transform_0(%arg0: i32) -> (i32, i32, i32) {
    %c0_i32 = arith.constant 0 : i32
    %c0_i32_0 = arith.constant 0 : i32
    %c0_i32_1 = arith.constant 0 : i32
    return %c0_i32, %arg0, %c0_i32_0 : i32, i32, i32
  }
  func.func @transform_1(%arg0: i32) -> (i32, i32) {
    %c0_i32 = arith.constant 0 : i32
    %c0_i32_0 = arith.constant 0 : i32
    return %arg0, %c0_i32 : i32, i32
  }
  func.func @transform_2(%arg0: i32) -> (i32, i32) {
    %c0_i32 = arith.constant 0 : i32
    %c0_i32_0 = arith.constant 0 : i32
    return %arg0, %c0_i32 : i32, i32
  }
}

</mosaic_0001>

<sc_bundles>
// kernel: kernel.4.cloned.1.call-start
scs
__scs_entry_jumppad:
0x0: {  	(pc) =	sbr.rel $0x88, $3  }
0x1: {  	(tag) =	ssettag $0x0;
	lr =	simm.s32 $0x1  }
0x2: {  	[smem:$0x3F9F] =	sst lr;
	_ =	strace $0xD0000000  }
0x3: {  	_ = 	snop  }
0x4: {  	_ = 	snop  }
0x5: {  	_ = 	snop  }
0x6: {  	_ = 	snop  }
0x7: {  	_ = 	snop  }
__scs_overlays_trampoline_lowered:
0x8: {  	[smem:$0x3FAE] =	sst s0  }
0x9: {  	[smem:$0x3FAF] =	sst s1  }
0xa: {  	[smem:$0x3FB0] =	sst s2  }
0xb: {  	[smem:$0x3FB1] =	sst s3  }
0xc: {  	[smem:$0x3FB2] =	sst s4  }
0xd: {  	[smem:$0x3FB3] =	sst s5  }
0xe: {  	[smem:$0x3FB4] =	sst s6  }
0xf: {  	[smem:$0x3FB5] =	sst s7  }
0x10: {  	[smem:$0x3FB6] =	sst s8  }
0x11: {  	[smem:$0x3FB7] =	sst s9;
	s0 =	simm.s32 @!p0 $0x0  }
0x12: {  	s1 =	sld [smem:$0x3F9D];
	s0 =	simm.s32 @p0 $0x1  }
0x13: {  	[smem:$0x3FB8] =	sst s0;
	s0 =	simm.s32 @!p1 $0x0  }
0x14: {  	s2 =	sld [smem:$0x3F9C];
	s0 =	simm.s32 @p1 $0x1  }
0x15: {  	[smem:$0x3FB9] =	sst s0;
	s0 =	simm.s32 @!p2 $0x0  }
0x16: {  	s3 =	sld [smem:$0x3FDB];
	s0 =	simm.s32 @p2 $0x1  }
0x17: {  	s4 =	simm.s32 $0x1BF5;
	[smem:$0x3FBB] =	sst s0  }
0x18: {  	s0 =	sld [smem:$0x3F9E];
	_ =	swait.ge [sflag:s4], $0x0  }
0x19: {  	s7 =	sld [smem:$0x3F9F]  }
0x1a: {  	s8 =	sadd.s32 $0xFFFFE003, lr  }
0x1b: {  	s9 =	sadd.s32 $0xFFFFFEF7, lr;
	s5 =	simm.s32 $0xFFFFFFFF;
	p2 =	slt.u32 s8, $0xFFFFF086  }
0x1c: {  	p1 =	slt.u32 s9, $0xF7A;
	s5 =	simm.s32 @!p2 $0x0  }
0x1d: {  	s5 =	simm.s32 @p1 $0x1;
	p0 =	seq.s32 s7, s2  }
0x1e: {  	s7 =	smul.u32 @!p0 $0xF7A, s2;
	p2 =	seq.s32 @!p0 s5, $0x0  }
0x1f: {  	s9 =	smul.u32 $0xF7A, s1;
	s8 =	simm.s32 @!p0 $0x1BF5;
	p2 =	por !p2, p0  }
0x20: {  	[sflag:s8] =	ssyncset.s32 @!p0 $0xFFFFF086;
	s6 =	sadd.s32 @!p0 s3, s7;
	s7 =	simm.s32 @!p0 $0x108  }
0x21: {  	s3 =	sadd.s32 s3, s9;
	s6 =	sadd.s32 @!p0 $0x88, s6;
	s7 =	simm.s32 @p2 $0x1082  }
0x22: {  	[simem:s7], [sflag:s8] =	dma.local @!p0 [hbm:s6], $0xF7A  }
0x23: {  	s9 =	sor.u32 $0xD0000000, s2;
	s6 =	simm.s32 $0x108;
	_ =	swait.ge @!p0 [sflag:s8], $0x0  }
0x24: {  	s3 =	sadd.s32 $0x88, s3;
	s6 =	simm.s32 @!p1 $0x1082;
	[sflag:s4] =	ssyncset.s32 $0xFFFFF086  }
0x25: {  	[simem:s6], [sflag:s4] =	dma.local [hbm:s3], $0xF7A  }
0x26: {  	[smem:$0x3F9F] =	sst s1;
	(tag) =	ssettag s2;
	_ =	strace s9  }
0x27: {  	s1 =	sld [smem:$0x3FAF]  }
0x28: {  	s2 =	sld [smem:$0x3FB0]  }
0x29: {  	s4 =	sld [smem:$0x3FB2]  }
0x2a: {  	p0 =	seq.s32 s5, $0x0;
	s5 =	sld [smem:$0x3FB3]  }
0x2b: {  	s6 =	sld [smem:$0x3FB4]  }
0x2c: {  	s7 =	sld [smem:$0x3FB5]  }
0x2d: {  	s3 =	simm.s32 $0x108;
	s8 =	sld [smem:$0x3FB6]  }
0x2e: {  	s3 =	simm.s32 @!p0 $0x1082;
	s9 =	sld [smem:$0x3FB7]  }
0x2f: {  	lr =	sadd.s32 s0, s3;
	s0 =	sld [smem:$0x3FAE]  }
0x30: {  	s3 =	sld [smem:$0x3FB1]  }
0x31: {  	[smem:$0x3FBA] =	sst s10  }
0x32: {  	s10 =	sld [smem:$0x3FB8];
	_ =	sdelay $0x3  }
0x33: {  	p0 =	seq.s32 s10, $0x1;
	s10 =	sld [smem:$0x3FBA];
	_ =	sdelay $0x3  }
0x34: {  	[smem:$0x3FBA] =	sst s10  }
0x35: {  	s10 =	sld [smem:$0x3FB9];
	_ =	sdelay $0x3  }
0x36: {  	p1 =	seq.s32 s10, $0x1;
	s10 =	sld [smem:$0x3FBA];
	_ =	sdelay $0x3  }
0x37: {  	[smem:$0x3FBA] =	sst s10  }
0x38: {  	s10 =	sld [smem:$0x3FBB]  }
0x39: {  	_ = 	snop;
	(pc) =	sbr.ind lr, $3  }
0x3a: {  	_ = 	snop  }
0x3b: {  	_ = 	snop  }
0x3c: {  	p2 =	seq.s32 s10, $0x1;
	s10 =	sld [smem:$0x3FBA]  }
0x3d: {  	_ =	shalt  }
0x3e: {  	_ =	shalt  }
0x3f: {  	_ =	shalt  }
0x40: {  	_ =	shalt  }
0x41: {  	_ =	shalt  }
0x42: {  	_ =	shalt  }
0x43: {  	_ =	shalt  }
0x44: {  	_ =	shalt  }
0x45: {  	_ =	shalt  }
0x46: {  	_ =	shalt  }
0x47: {  	_ =	shalt  }
0x48: {  	_ =	shalt  }
0x49: {  	_ =	shalt  }
0x4a: {  	_ =	shalt  }
0x4b: {  	_ =	shalt  }
0x4c: {  	_ =	shalt  }
0x4d: {  	_ =	shalt  }
0x4e: {  	_ =	shalt  }
0x4f: {  	_ =	shalt  }
0x50: {  	_ =	shalt  }
0x51: {  	_ =	shalt  }
0x52: {  	_ =	shalt  }
0x53: {  	_ =	shalt  }
0x54: {  	_ =	shalt  }
0x55: {  	_ =	shalt  }
0x56: {  	_ =	shalt  }
0x57: {  	_ =	shalt  }
0x58: {  	_ =	shalt  }
0x59: {  	_ =	shalt  }
0x5a: {  	_ =	shalt  }
0x5b: {  	_ =	shalt  }
0x5c: {  	_ =	shalt  }
0x5d: {  	_ =	shalt  }
0x5e: {  	_ =	shalt  }
0x5f: {  	_ =	shalt  }
0x60: {  	_ =	shalt  }
0x61: {  	_ =	shalt  }
0x62: {  	_ =	shalt  }
0x63: {  	_ =	shalt  }
0x64: {  	_ =	shalt  }
0x65: {  	_ =	shalt  }
0x66: {  	_ =	shalt  }
0x67: {  	_ =	shalt  }
0x68: {  	_ =	shalt  }
0x69: {  	_ =	shalt  }
0x6a: {  	_ =	shalt  }
0x6b: {  	_ =	shalt  }
0x6c: {  	_ =	shalt  }
0x6d: {  	_ =	shalt  }
0x6e: {  	_ =	shalt  }
0x6f: {  	_ =	shalt  }
0x70: {  	_ =	shalt  }
0x71: {  	_ =	shalt  }
0x72: {  	_ =	shalt  }
0x73: {  	_ =	shalt  }
0x74: {  	_ =	shalt  }
0x75: {  	_ =	shalt  }
0x76: {  	_ =	shalt  }
0x77: {  	_ =	shalt  }
0x78: {  	_ =	shalt  }
0x79: {  	_ =	shalt  }
0x7a: {  	_ =	shalt  }
0x7b: {  	_ =	shalt  }
0x7c: {  	_ =	shalt  }
0x7d: {  	_ =	shalt  }
0x7e: {  	_ =	shalt  }
0x7f: {  	_ =	shalt  }
0x80: {  	_ =	shalt  }
0x81: {  	_ =	shalt  }
0x82: {  	_ =	shalt  }
0x83: {  	_ =	shalt  }
0x84: {  	_ =	shalt  }
0x85: {  	_ =	shalt  }
0x86: {  	_ =	shalt  }
0x87: {  	_ =	shalt  }
.Lfunc_end0:
.L_simem_size_0:
called_computation_lowered:
.L_overlay_start_0:
0x88: {  	s2 =	sld [smem:$0x3FD9]  }
0x89: {  	s3 =	sld [smem:$0x3FFE];
	_ =	sdelay $0x1  }
0x8a: {  	s1 =	srdreg.scid  }
0x8b: {  	s0 =	sand.u32 $0x1, s1  }
0x8c: {  	s17 =	sshll.u32 s0, $0xA;
	s2 =	sadd.s32 s3, s2  }
0x8d: {  	s2 =	sadd.s32 s2, s17  }
0x8e: {  	[smem:$0x3FC6] =	sst s2  }
0x8f: {  	_ = 	snop  }
0x90: {  	s2 =	sld [smem:$0x3FD0];
	(tm) =	ssettm $0x1  }
0x91: {  	s18 =	sld [smem:$0x3FFB];
	_ =	sdelay $0x3  }
0x92: {  	_ =	strace s18  }
0x93: {  	s3 =	sld [smem:$0x3FFC];
	_ =	sdelay $0x3  }
0x94: {  	_ =	strace s3  }
0x95: {  	s3 =	sld [smem:$0x3FFD];
	_ =	sdelay $0x3  }
0x96: {  	_ =	strace s3  }
0x97: {  	_ =	strace $0x8FFFFFFF  }
0x98: {  	s19 =	sld [smem:$0x3FDB];
	_ =	sdelay $0x1  }
0x99: {  	s4 =	simm.s32 $_scs_section_size  }
0x9a: {  	s5 =	simm.s32 $_size__tile_overlayer_lowered;
	s6 =	simm.s32 $_tile_overlayer_lowered  }
0x9b: {  	s22 =	simm.s32 $0x1BFF;
	s21 =	sshll.u32 s6, $0x1;
	s3 =	sadd.s32 s4, s19  }
0x9c: {  	s7 =	simm.s32 $0x0;
	s20 =	sshll.u32 s5, $0x1;
	s5 =	sadd.s32 s21, s3  }
0x9d: {  	[timem:s7], [sflag:s22] =	dma.local [hbm:s5], s20  }
0x9e: {  	_ =	swait.ge [sflag:s22], s20  }
0x9f: {  	s4 =	ssub.s32 $0x0, s20;
	[sflag:s22] =	ssyncset.done $0x0  }
0xa0: {  	[sflag:s22] =	ssyncadd.s32 s4;
	_ =	sdelay $0x1  }
0xa1: {  	s23 =	simm.s32 $0x1B8B  }
0xa2: {  	_ =	swait.ge [sflag:s23], $0x1  }
0xa3: {  	[sflag:s23] =	ssyncset.done $0x0  }
0xa4: {  	s25 =	simm.s32 $0x1B8E;
	s24 =	sld [smem:$0x3FFE];
	[sflag:s23] =	ssyncadd.s32 $0xFFFFFFFF  }
0xa5: {  	s26 =	simm.s32 $execute0_lowered;
	[smem:$0x3FD2] =	sst s25  }
0xa6: {  	s5 =	sshll.u32 s26, $0x1;
	_ =	strace $0x80000046;
	[dreg:$0x1] =	wrdreg $0xFFFFFFFF  }
0xa7: {  	s28 =	simm.s32 $_size_execute0_lowered;
	s3 =	sadd.s32 s3, s5;
	[dreg:$0x0] =	wrdreg $0x0  }
0xa8: {  	s5 =	sshll.u32 s28, $0x1;
	[dreg:$0x2] =	wrdreg s3  }
0xa9: {  	[dreg:$0x3] =	wrdreg s5  }
0xaa: {  	[dreg:$0x4] =	wrdreg $0xC0  }
0xab: {  	_ =	task [dreg:s7], $0x5FFFF  }
0xac: {  	[dreg:$0x1] =	wrdreg $0xFFFFFFFF  }
0xad: {  	[dreg:$0x0] =	wrdreg $0x60  }
0xae: {  	[dreg:$0x2] =	wrdreg s2  }
0xaf: {  	[dreg:$0x3] =	wrdreg s24  }
0xb0: {  	[dreg:$0x4] =	wrdreg $0x7AA00  }
0xb1: {  	[dreg:$0x5] =	wrdreg $0x9  }
0xb2: {  	_ =	task.clear_ibuf [dreg:s7], $0x6FFFF;
	_ =	strace $0x90000046  }
0xb3: {  	s29 =	simm.s32 $0x9;
	_ =	strace $0x80000048  }
0xb4: {  	_ =	swait.ge [sflag:s29], $0x1  }
0xb5: {  	[sflag:s29] =	ssyncadd.s32 $0xFFFFFFFF  }
0xb6: {  	_ =	strace $0x90000048  }
0xb7: {  	_ =	sfence  }
0xb8: {  	s30 =	sld [smem:$0x0];
	_ =	sdelay $0x2  }
0xb9: {  	s31 =	sshll.u32 s1, $0xD;
	s1 =	sshrl.u32 s1, $0x2  }
0xba: {  	s3 =	sand.u32 $0x4000, s31;
	s1 =	sadd.s32 s1, s30  }
0xbb: {  	s0 =	sor.u32 s3, s0;
	s1 =	sshll.u32 s1, $0x11  }
0xbc: {  	s0 =	sor.u32 s1, s0  }
0xbd: {  	s0 =	sadd.s32 $0x8F2B, s0  }
0xbe: {  	[sflag:s0] =	ssyncadd.remote.s32 $0x1  }
0xbf: {  	_ =	sfence.sel $0xFFFF  }
0xc0: {  	[dreg:$0x0] =	wrdreg $0xFFFFFFFF;
	(pc) =	sbr.abs _section_cstart, $3  }
0xc1: {  	[dreg:$0x1] =	wrdreg $0xFFFFFFFF  }
0xc2: {  	_ =	task.clear_ibuf [dreg:s7], $0x2FFFF;
	_ =	strace $0x9FFFFFFF  }
0xc3: {  	(tm) =	ssettm $0x7FFFFFFF  }
tec
execute0_lowered:
.L_overlay_start_1:
0x0: {  	(tag) =	ssettag $0x1  }
0x1: {  	s1 =	rddreg [dreg:$0x0]  }
0x2: {  	s0 =	rddreg [dreg:$0x1];
	s2 =	srdreg.scid  }
0x3: {  	s11 =	stileid.u32;
	s3 =	rddreg [dreg:$0x2];
	s4 =	simm.s32 $0x0  }
0x4: {  	s28 =	simm.s32 $0x44A0;
	s29 =	simm.s32 $0x5FA0;
	s5 =	smul.u32 $0x16800, s11  }
0x5: {  	s30 =	simm.s32 $0x7;
	s31 =	simm.s32 $0x1;
	s7 =	smul.u32 $0x25B0, s11  }
0x6: {  	s12 =	simm.s32 $0x6;
	s13 =	simm.s32 $0x8;
	s9 =	smul.u32 $0x5A000, s11  }
0x7: {  	s2 =	sand.u32 $0x1, s2;
	[smem:$0x7FF] =	sst s4;
	s11 =	smul.u32 $0x510, s11  }
0x8: {  	s6 =	smul.u32 $0x168000, s2;
	_ =	strace $0x80000047;
	s8 =	ssub.s32 $0x2, s2  }
0x9: {  	p0 =	sne.s32 s2, $0x0;
	s2 =	simm.s32 $0x28B0;
	s7 =	sshrl.u32 s7, $0x3  }
0xa: {  	s10 =	sshrl.u32 s8, $0x1;
	s9 =	sshrl.u32 s9, $0x2;
	s7 =	sadd.s32 s0, s7  }
0xb: {  	s6 =	sadd.s32 s5, s6;
	s9 =	sadd.s32 s9, s3;
	s7 =	sadd.s32 $0x5100, s7  }
0xc: {  	s8 =	ssub.s32 s8, s10;
	s19 =	sadd.s32 $0x1B00, s9;
	[dreg:$0x4] =	wrdreg s7  }
0xd: {  	s10 =	simm.s32 $0x2970;
	s20 =	sadd.s32 $0x3600, s9;
	[dreg:$0x6] =	wrdreg s19  }
0xe: {  	s6 =	sshrl.u32 s6, $0x3;
	s21 =	sadd.s32 $0x5100, s9;
	[dreg:$0x7] =	wrdreg s20  }
0xf: {  	s22 =	sadd.s32 $0x6C00, s9;
	s23 =	sadd.s32 $0x8700, s9;
	[dreg:$0x8] =	wrdreg s21  }
0x10: {  	s24 =	sadd.s32 $0xA200, s9;
	s25 =	sadd.s32 $0xBD00, s9;
	[dreg:$0x9] =	wrdreg s22  }
0x11: {  	s26 =	sadd.s32 $0xD800, s9;
	s16 =	sadd.s32 $0xF300, s9;
	[dreg:$0xa] =	wrdreg s23  }
0x12: {  	s17 =	sadd.s32 $0x10E00, s9;
	s18 =	sadd.s32 $0x12900, s9;
	[dreg:$0xb] =	wrdreg s24  }
0x13: {  	s6 =	sadd.s32 s6, s0;
	s0 =	sadd.s32 s0, s11;
	[dreg:$0xc] =	wrdreg s25  }
0x14: {  	s7 =	sadd.s32 s5, s3;
	[dreg:$0xd] =	wrdreg s26;
	s19 =	sadd.s32 $0x14400, s9  }
.Ltmp0:
0x15: {  	s20 =	sadd.s32 $0x15F00, s9;
	s22 =	smax.u32 s8, $0x1;
	(pc) =	sbr.rel .LBB2_1-.Ltmp0, $4  }
0x16: {  	s23 =	simm.s32 $0x30;
	s24 =	simm.s32 $0x2880;
	s25 =	simm.s32 $0x29A0  }
0x17: {  	s26 =	simm.s32 $0x28E0;
	s5 =	simm.s32 $0x2;
	s8 =	simm.s32 $0x4  }
0x18: {  	s9 =	simm.s32 $0x3;
	s11 =	simm.s32 $0x5;
	[dreg:$0x5] =	wrdreg s0  }
0x19: {  	v0 =	vimm.f32 $0.0e+00;
	s21 =	sadd.s32 $0x9E00, s6;
	s0 =	simm.s32 $0x2940;
	s6 =	simm.s32 $0x2910  }
.LBB2_8:
0x1a: {  	_ =	swait.ge [sflag:s9], $0x1B00  }
0x1b: {  	[sflag:s9] =	ssyncset.done $0x0  }
0x1c: {  	[sflag:s9] =	ssyncadd.s32 $0xFFFFE500  }
0x1d: {  	[spmem:s3] =	stream.indirect.scatter.add.f32 [tilespmem:s29], [sflag:$0x6], $0x90, s10, s23, $0xb8;
	[tilespmem:$0x1E2A0] =	vst v63  }
0x1e: {  	_ =	swait.ge [sflag:s8], $0x1B00  }
0x1f: {  	[sflag:s8] =	ssyncset.done $0x0  }
0x20: {  	[sflag:s8] =	ssyncadd.s32 $0xFFFFE500  }
0x21: {  	_ =	swait.ge [sflag:s11], $0x1B00  }
0x22: {  	[sflag:s11] =	ssyncset.done $0x0  }
0x23: {  	[sflag:s11] =	ssyncadd.s32 $0xFFFFE500  }
0x24: {  	s14 =	stileid.u32;
	_ =	swait.ge [sflag:s12], $0x1B00  }
0x25: {  	s15 =	sshrl.u32 s7, $0x3;
	s4 =	sadd.s32 $0x1, s4;
	[sflag:s12] =	ssyncset.done $0x0  }
0x26: {  	s14 =	sshll.u32 s14, $0x6;
	p1 =	sne.s32 s4, s22;
	[sflag:s12] =	ssyncadd.s32 $0xFFFFE500  }
.Ltmp1:
0x27: {  	s14 =	sor.u32 $0x1C08, s14;
	[bflag:$0x0] =	sbarrier.arrive $0xFFFF;
	(pc) =	sbr.rel @!p1 .LBB2_9-.Ltmp1, $4  }
0x28: {  	[hbm:s21], [sflag:s14] =	dma.local [spmem:s15], $0x2D00  }
0x29: {  	_ =	swait.ge [sflag:s13], $0x2D00  }
0x2a: {  	[sflag:s13] =	ssyncset.done $0x0  }
0x2b: {  	[sflag:s13] =	ssyncadd.s32 $0xFFFFD300  }
.LBB2_1:
0x2c: {  	s14 =	simm.s32 @p0 $0x0;
	s15 =	rddreg [dreg:$0x4]  }
0x2d: {  	[tilespmem:s14], [sflag:$0x8] =	stream.linear.gather @p0 [hbm4b:s15+s14], $0x25B0, $0x38;
	[tilespmem:$0x1E2A0] =	vst v63  }
0x2e: {  	s14 =	simm.s32 @p0 $0x8  }
0x2f: {  	_ =	swait.ge @p0 [sflag:s14], $0x25B0  }
0x30: {  	[sflag:s14] =	ssyncset.done @p0 $0x0  }
0x31: {  	s15 =	rddreg [dreg:$0x5];
	[sflag:s14] =	ssyncadd.s32 @p0 $0xFFFFDA50;
	s14 =	simm.s32 @!p0 $0x0  }
0x32: {  	[tilespmem:s14], [sflag:$0x8] =	stream.linear.gather @!p0 [hbm4b:s15+s14], $0x2880, $0x38;
	[tilespmem:$0x1E2A0] =	vst v63  }
0x33: {  	s14 =	simm.s32 @!p0 $0x8  }
0x34: {  	_ =	swait.ge @!p0 [sflag:s14], $0x2880  }
0x35: {  	[sflag:s14] =	ssyncset.done @!p0 $0x0  }
0x36: {  	[sflag:s14] =	ssyncadd.s32 @!p0 $0xFFFFD780  }
0x37: {  	v1 =	vld [tilespmem:$0x0];
	_ =	sdelay $0x1  }
0x38: {  	v2 =	vld [tilespmem:$0x10];
	_ =	sdelay $0x1  }
0x39: {  	v3 =	vld [tilespmem:$0x20]  }
0x3a: {  	v4 =	vand.u32 $0xFFFF, v1  }
0x3b: {  	v1 =	vshra.s32 v1, $0x10;
	[tilespmem:$0x2880] =	vst v4  }
0x3c: {  	[tilespmem:$0x28B0] =	vst v1;
	v1 =	vand.u32 $0xFFFF, v2  }
0x3d: {  	[tilespmem:$0x2890] =	vst v1;
	v1 =	vshra.s32 v2, $0x10  }
0x3e: {  	[tilespmem:$0x28C0] =	vst v1;
	v1 =	vand.u32 $0xFFFF, v3  }
0x3f: {  	[tilespmem:$0x28A0] =	vst v1;
	v1 =	vshra.s32 v3, $0x10  }
0x40: {  	[tilespmem:$0x28D0] =	vst v1  }
0x41: {  	[tilespmem:s25], [sflag:$0x1] =	stream.indirect.gather [hbm4b:s1+s23], $0x90, s24, s23, $0xb8;
	[tilespmem:$0x1E2A0] =	vst v63  }
0x42: {  	v1 =	vld [tilespmem:$0x30];
	_ =	sdelay $0x1  }
0x43: {  	v2 =	vld [tilespmem:$0x40];
	_ =	sdelay $0x1  }
0x44: {  	v3 =	vld [tilespmem:$0x50]  }
0x45: {  	v63 =	vand.u32 $0xFFFF, v1  }
0x46: {  	v1 =	vshra.s32 v1, $0x10;
	[tilespmem:$0x28E0] =	vst v63  }
0x47: {  	[tilespmem:$0x2910] =	vst v1;
	v1 =	vand.u32 $0xFFFF, v2  }
0x48: {  	[tilespmem:$0x28F0] =	vst v1;
	v1 =	vshra.s32 v2, $0x10  }
0x49: {  	[tilespmem:$0x2920] =	vst v1;
	v1 =	vand.u32 $0xFFFF, v3  }
0x4a: {  	[tilespmem:$0x2900] =	vst v1;
	v1 =	vshra.s32 v3, $0x10  }
0x4b: {  	s15 =	simm.s32 $0x240;
	s14 =	simm.s32 $0x0;
	[tilespmem:$0x2930] =	vst v1  }
0x4c: {  	[tilespmem:s28], [sflag:$0x2] =	stream.indirect.gather [hbm4b:s1+s23], $0x90, s26, s23, $0xb8;
	[tilespmem:$0x1E2A0] =	vst v63  }
.LBB2_2:
0x4d: {  	p1 =	sne.s32 s15, $0x69C0;
	[tilespmem:s14+$0x6020] =	vst v0  }
0x4e: {  	[tilespmem:s14+$0x5FA0] =	vst v0  }
0x4f: {  	[tilespmem:s14+$0x5FB0] =	vst v0  }
0x50: {  	[tilespmem:s14+$0x5FC0] =	vst v0  }
.Ltmp2:
0x51: {  	[tilespmem:s14+$0x5FD0] =	vst v0;
	(pc) =	sbr.rel @p1 .LBB2_2-.Ltmp2, $4  }
0x52: {  	[tilespmem:s14+$0x5FE0] =	vst v0  }
0x53: {  	[tilespmem:s14+$0x5FF0] =	vst v0  }
0x54: {  	[tilespmem:s14+$0x6000] =	vst v0  }
0x55: {  	[tilespmem:s14+$0x6010] =	vst v0;
	s14 =	sshra.s32 s15, $0x2;
	s15 =	sadd.s32 $0x240, s15  }
0x56: {  	[tilespmem:s14+$0x6020] =	vst v0  }
0x57: {  	[tilespmem:s14+$0x5FA0] =	vst v0  }
0x58: {  	[tilespmem:s14+$0x5FB0] =	vst v0  }
0x59: {  	[tilespmem:s14+$0x5FC0] =	vst v0  }
0x5a: {  	[tilespmem:s14+$0x5FD0] =	vst v0  }
0x5b: {  	[tilespmem:s14+$0x5FE0] =	vst v0  }
0x5c: {  	[tilespmem:s14+$0x5FF0] =	vst v0  }
0x5d: {  	[tilespmem:s14+$0x6000] =	vst v0  }
0x5e: {  	[tilespmem:s14+$0x6010] =	vst v0  }
0x5f: {  	[spmem:s7] =	stream.linear.scatter [tilespmem:s29], [sflag:$0x7], $0x1B00, $0x38;
	[tilespmem:$0x1E2A0] =	vst v63  }
0x60: {  	s15 =	rddreg [dreg:$0x6]  }
0x61: {  	[spmem:s15] =	stream.linear.scatter [tilespmem:s29], [sflag:$0x7], $0x1B00, $0x38;
	[tilespmem:$0x1E2A0] =	vst v63  }
0x62: {  	s15 =	rddreg [dreg:$0x7]  }
0x63: {  	[spmem:s15] =	stream.linear.scatter [tilespmem:s29], [sflag:$0x7], $0x1B00, $0x38;
	[tilespmem:$0x1E2A0] =	vst v63  }
0x64: {  	s15 =	rddreg [dreg:$0x8]  }
0x65: {  	[spmem:s15] =	stream.linear.scatter [tilespmem:s29], [sflag:$0x7], $0x1B00, $0x38;
	[tilespmem:$0x1E2A0] =	vst v63  }
0x66: {  	s15 =	rddreg [dreg:$0x9]  }
0x67: {  	[spmem:s15] =	stream.linear.scatter [tilespmem:s29], [sflag:$0x7], $0x1B00, $0x38;
	[tilespmem:$0x1E2A0] =	vst v63  }
0x68: {  	s15 =	rddreg [dreg:$0xa]  }
0x69: {  	[spmem:s15] =	stream.linear.scatter [tilespmem:s29], [sflag:$0x7], $0x1B00, $0x38;
	[tilespmem:$0x1E2A0] =	vst v63  }
0x6a: {  	s15 =	rddreg [dreg:$0xb]  }
0x6b: {  	[spmem:s15] =	stream.linear.scatter [tilespmem:s29], [sflag:$0x7], $0x1B00, $0x38;
	[tilespmem:$0x1E2A0] =	vst v63  }
0x6c: {  	s15 =	rddreg [dreg:$0xc]  }
0x6d: {  	[spmem:s15] =	stream.linear.scatter [tilespmem:s29], [sflag:$0x7], $0x1B00, $0x38;
	[tilespmem:$0x1E2A0] =	vst v63  }
0x6e: {  	s15 =	rddreg [dreg:$0xd]  }
0x6f: {  	[spmem:s15] =	stream.linear.scatter [tilespmem:s29], [sflag:$0x7], $0x1B00, $0x38;
	[tilespmem:$0x1E2A0] =	vst v63  }
0x70: {  	_ = 	snop  }
0x71: {  	[spmem:s16] =	stream.linear.scatter [tilespmem:s29], [sflag:$0x7], $0x1B00, $0x38;
	[tilespmem:$0x1E2A0] =	vst v63  }
0x72: {  	_ = 	snop  }
0x73: {  	[spmem:s17] =	stream.linear.scatter [tilespmem:s29], [sflag:$0x7], $0x1B00, $0x38;
	[tilespmem:$0x1E2A0] =	vst v63  }
0x74: {  	_ = 	snop  }
0x75: {  	[spmem:s18] =	stream.linear.scatter [tilespmem:s29], [sflag:$0x7], $0x1B00, $0x38;
	[tilespmem:$0x1E2A0] =	vst v63  }
0x76: {  	_ = 	snop  }
0x77: {  	[spmem:s19] =	stream.linear.scatter [tilespmem:s29], [sflag:$0x7], $0x1B00, $0x38;
	[tilespmem:$0x1E2A0] =	vst v63  }
0x78: {  	_ = 	snop  }
0x79: {  	[spmem:s20] =	stream.linear.scatter [tilespmem:s29], [sflag:$0x7], $0x900, $0x38;
	[tilespmem:$0x1E2A0] =	vst v63  }
0x7a: {  	_ =	swait.ge [sflag:s30], $0x1B00  }
0x7b: {  	[sflag:s30] =	ssyncset.done $0x0  }
0x7c: {  	[sflag:s30] =	ssyncadd.s32 $0xFFFFE500  }
0x7d: {  	_ =	swait.ge [sflag:s30], $0x1B00  }
0x7e: {  	[sflag:s30] =	ssyncset.done $0x0  }
0x7f: {  	[sflag:s30] =	ssyncadd.s32 $0xFFFFE500  }
0x80: {  	_ =	swait.ge [sflag:s30], $0x1B00  }
0x81: {  	[sflag:s30] =	ssyncset.done $0x0  }
0x82: {  	[sflag:s30] =	ssyncadd.s32 $0xFFFFE500  }
0x83: {  	_ =	swait.ge [sflag:s30], $0x1B00  }
0x84: {  	[sflag:s30] =	ssyncset.done $0x0  }
0x85: {  	[sflag:s30] =	ssyncadd.s32 $0xFFFFE500  }
0x86: {  	_ =	swait.ge [sflag:s30], $0x1B00  }
0x87: {  	[sflag:s30] =	ssyncset.done $0x0  }
0x88: {  	[sflag:s30] =	ssyncadd.s32 $0xFFFFE500  }
0x89: {  	_ =	swait.ge [sflag:s30], $0x1B00  }
0x8a: {  	[sflag:s30] =	ssyncset.done $0x0  }
0x8b: {  	[sflag:s30] =	ssyncadd.s32 $0xFFFFE500  }
0x8c: {  	_ =	swait.ge [sflag:s30], $0x1B00  }
0x8d: {  	[sflag:s30] =	ssyncset.done $0x0  }
0x8e: {  	[sflag:s30] =	ssyncadd.s32 $0xFFFFE500  }
0x8f: {  	_ =	swait.ge [sflag:s30], $0x1B00  }
0x90: {  	[sflag:s30] =	ssyncset.done $0x0  }
0x91: {  	[sflag:s30] =	ssyncadd.s32 $0xFFFFE500  }
0x92: {  	_ =	swait.ge [sflag:s30], $0x1B00  }
0x93: {  	[sflag:s30] =	ssyncset.done $0x0  }
0x94: {  	[sflag:s30] =	ssyncadd.s32 $0xFFFFE500  }
0x95: {  	_ =	swait.ge [sflag:s30], $0x1B00  }
0x96: {  	[sflag:s30] =	ssyncset.done $0x0  }
0x97: {  	[sflag:s30] =	ssyncadd.s32 $0xFFFFE500  }
0x98: {  	_ =	swait.ge [sflag:s30], $0x1B00  }
0x99: {  	[sflag:s30] =	ssyncset.done $0x0  }
0x9a: {  	[sflag:s30] =	ssyncadd.s32 $0xFFFFE500  }
0x9b: {  	_ =	swait.ge [sflag:s30], $0x1B00  }
0x9c: {  	[sflag:s30] =	ssyncset.done $0x0  }
0x9d: {  	[sflag:s30] =	ssyncadd.s32 $0xFFFFE500  }
0x9e: {  	_ =	swait.ge [sflag:s30], $0x1B00  }
0x9f: {  	[sflag:s30] =	ssyncset.done $0x0  }
0xa0: {  	[sflag:s30] =	ssyncadd.s32 $0xFFFFE500  }
.Ltmp3:
0xa1: {  	_ =	swait.ge [sflag:s30], $0x900;
	(pc) =	sbr.rel @p0 .LBB2_6-.Ltmp3, $4  }
0xa2: {  	[sflag:s30] =	ssyncset.done $0x0  }
0xa3: {  	[sflag:s30] =	ssyncadd.s32 $0xFFFFF700  }
0xa4: {  	[bflag:$0x0] =	sbarrier.arrive $0xFFFF  }
0xa5: {  	s14 =	simm.s32 $0x0  }
.LBB2_4:
0xa6: {  	_ =	swait.ge [sflag:s31], $0x1B00  }
0xa7: {  	p1 =	seq.s32 s14, $0x0;
	[sflag:s31] =	ssyncset.done $0x0  }
0xa8: {  	s15 =	simm.s32 @!p1 $0x6;
	[sflag:s31] =	ssyncadd.s32 $0xFFFFE500  }
0xa9: {  	[spmem:s3] =	stream.indirect.scatter.add.f32 [tilespmem:s25], [sflag:$0x4], $0x90, s2, s23, $0xb8;
	[tilespmem:$0x1E2A0] =	vst v63  }
0xaa: {  	_ =	swait.ge @!p1 [sflag:s15], $0x1B00  }
0xab: {  	[sflag:s15] =	ssyncset.done @!p1 $0x0  }
0xac: {  	[sflag:s15] =	ssyncadd.s32 @!p1 $0xFFFFE500;
	s15 =	sshra.s32 s14, $0x2  }
0xad: {  	v1 =	vld [tilespmem:s15+$0x60];
	_ =	sdelay $0x4  }
0xae: {  	v2 =	vand.u32 $0xFFFF, v1  }
0xaf: {  	v1 =	vshra.s32 v1, $0x10;
	[tilespmem:$0x2940] =	vst v2  }
0xb0: {  	[tilespmem:$0x2970] =	vst v1  }
0xb1: {  	v1 =	vld [tilespmem:s15+$0x70];
	_ =	sdelay $0x4  }
0xb2: {  	v2 =	vand.u32 $0xFFFF, v1  }
0xb3: {  	v1 =	vshra.s32 v1, $0x10;
	[tilespmem:$0x2950] =	vst v2  }
0xb4: {  	[tilespmem:$0x2980] =	vst v1  }
0xb5: {  	v1 =	vld [tilespmem:s15+$0x80];
	_ =	sdelay $0x4  }
0xb6: {  	v2 =	vand.u32 $0xFFFF, v1  }
0xb7: {  	v1 =	vshra.s32 v1, $0x10;
	[tilespmem:$0x2960] =	vst v2  }
0xb8: {  	p1 =	seq.s32 s14, $0x9FC0;
	[tilespmem:$0x2990] =	vst v1  }
0xb9: {  	[tilespmem:s29], [sflag:$0x3] =	stream.indirect.gather [hbm4b:s1+s23], $0x90, s0, s23, $0xb8;
	[tilespmem:$0x1E2A0] =	vst v63  }
.Ltmp4:
0xba: {  	_ = 	snop;
	(pc) =	sbr.rel @p1 .LBB2_8-.Ltmp4, $4  }
0xbb: {  	_ =	swait.ge [sflag:s5], $0x1B00  }
0xbc: {  	[sflag:s5] =	ssyncset.done $0x0  }
0xbd: {  	[sflag:s5] =	ssyncadd.s32 $0xFFFFE500  }
0xbe: {  	[spmem:s3] =	stream.indirect.scatter.add.f32 [tilespmem:s28], [sflag:$0x5], $0x90, s6, s23, $0xb8;
	[tilespmem:$0x1E2A0] =	vst v63  }
0xbf: {  	_ =	swait.ge [sflag:s8], $0x1B00  }
0xc0: {  	[sflag:s8] =	ssyncset.done $0x0  }
0xc1: {  	[sflag:s8] =	ssyncadd.s32 $0xFFFFE500  }
0xc2: {  	v1 =	vld [tilespmem:s15+$0x90];
	_ =	sdelay $0x4  }
0xc3: {  	v2 =	vand.u32 $0xFFFF, v1  }
0xc4: {  	v1 =	vshra.s32 v1, $0x10;
	[tilespmem:$0x2880] =	vst v2  }
0xc5: {  	[tilespmem:$0x28B0] =	vst v1  }
0xc6: {  	v1 =	vld [tilespmem:s15+$0xA0];
	_ =	sdelay $0x4  }
0xc7: {  	v2 =	vand.u32 $0xFFFF, v1  }
0xc8: {  	v1 =	vshra.s32 v1, $0x10;
	[tilespmem:$0x2890] =	vst v2  }
0xc9: {  	[tilespmem:$0x28C0] =	vst v1  }
0xca: {  	v1 =	vld [tilespmem:s15+$0xB0];
	_ =	sdelay $0x4  }
0xcb: {  	v2 =	vand.u32 $0xFFFF, v1  }
0xcc: {  	v1 =	vshra.s32 v1, $0x10;
	[tilespmem:$0x28A0] =	vst v2  }
0xcd: {  	[tilespmem:$0x28D0] =	vst v1  }
0xce: {  	[tilespmem:s25], [sflag:$0x1] =	stream.indirect.gather [hbm4b:s1+s23], $0x90, s24, s23, $0xb8;
	[tilespmem:$0x1E2A0] =	vst v63  }
0xcf: {  	_ =	swait.ge [sflag:s9], $0x1B00  }
0xd0: {  	[sflag:s9] =	ssyncset.done $0x0  }
0xd1: {  	[sflag:s9] =	ssyncadd.s32 $0xFFFFE500  }
0xd2: {  	[spmem:s3] =	stream.indirect.scatter.add.f32 [tilespmem:s29], [sflag:$0x6], $0x90, s10, s23, $0xb8;
	[tilespmem:$0x1E2A0] =	vst v63  }
0xd3: {  	_ =	swait.ge [sflag:s11], $0x1B00  }
0xd4: {  	[sflag:s11] =	ssyncset.done $0x0  }
0xd5: {  	[sflag:s11] =	ssyncadd.s32 $0xFFFFE500  }
0xd6: {  	v1 =	vld [tilespmem:s15+$0xC0];
	_ =	sdelay $0x4  }
0xd7: {  	v2 =	vand.u32 $0xFFFF, v1  }
0xd8: {  	v1 =	vshra.s32 v1, $0x10;
	[tilespmem:$0x28E0] =	vst v2  }
0xd9: {  	[tilespmem:$0x2910] =	vst v1  }
0xda: {  	v1 =	vld [tilespmem:s15+$0xD0];
	_ =	sdelay $0x4  }
0xdb: {  	v2 =	vand.u32 $0xFFFF, v1  }
0xdc: {  	v1 =	vshra.s32 v1, $0x10;
	[tilespmem:$0x28F0] =	vst v2  }
0xdd: {  	[tilespmem:$0x2920] =	vst v1  }
0xde: {  	v1 =	vld [tilespmem:s15+$0xE0];
	_ =	sdelay $0x3  }
.Ltmp5:
0xdf: {  	_ = 	snop;
	(pc) =	sbr.rel .LBB2_4-.Ltmp5, $4  }
0xe0: {  	v2 =	vand.u32 $0xFFFF, v1  }
0xe1: {  	v1 =	vshra.s32 v1, $0x10;
	[tilespmem:$0x2900] =	vst v2  }
0xe2: {  	s14 =	sadd.s32 $0x240, s14;
	[tilespmem:$0x2930] =	vst v1  }
0xe3: {  	[tilespmem:s28], [sflag:$0x2] =	stream.indirect.gather [hbm4b:s1+s23], $0x90, s26, s23, $0xb8;
	[tilespmem:$0x1E2A0] =	vst v63  }
.LBB2_6:
0xe4: {  	_ =	swait.ge [sflag:s31], $0x1B00  }
0xe5: {  	p1 =	seq.s32 s14, $0x0;
	[sflag:s31] =	ssyncset.done $0x0  }
0xe6: {  	s15 =	simm.s32 @!p1 $0x6;
	[sflag:s31] =	ssyncadd.s32 $0xFFFFE500  }
0xe7: {  	[spmem:s3] =	stream.indirect.scatter.add.f32 [tilespmem:s25], [sflag:$0x4], $0x90, s2, s23, $0xb8;
	[tilespmem:$0x1E2A0] =	vst v63  }
0xe8: {  	_ =	swait.ge @!p1 [sflag:s15], $0x1B00  }
0xe9: {  	[sflag:s15] =	ssyncset.done @!p1 $0x0  }
0xea: {  	[sflag:s15] =	ssyncadd.s32 @!p1 $0xFFFFE500;
	s15 =	sshra.s32 s14, $0x2  }
0xeb: {  	v1 =	vld [tilespmem:s15+$0x60];
	_ =	sdelay $0x4  }
0xec: {  	v2 =	vand.u32 $0xFFFF, v1  }
0xed: {  	v1 =	vshra.s32 v1, $0x10;
	[tilespmem:$0x2940] =	vst v2  }
0xee: {  	[tilespmem:$0x2970] =	vst v1  }
0xef: {  	v1 =	vld [tilespmem:s15+$0x70];
	_ =	sdelay $0x4  }
0xf0: {  	v2 =	vand.u32 $0xFFFF, v1  }
0xf1: {  	v1 =	vshra.s32 v1, $0x10;
	[tilespmem:$0x2950] =	vst v2  }
0xf2: {  	[tilespmem:$0x2980] =	vst v1  }
0xf3: {  	v1 =	vld [tilespmem:s15+$0x80];
	_ =	sdelay $0x4  }
0xf4: {  	v2 =	vand.u32 $0xFFFF, v1  }
0xf5: {  	v1 =	vshra.s32 v1, $0x10;
	[tilespmem:$0x2960] =	vst v2  }
0xf6: {  	p1 =	seq.s32 s14, $0x9480;
	[tilespmem:$0x2990] =	vst v1  }
0xf7: {  	[tilespmem:s29], [sflag:$0x3] =	stream.indirect.gather [hbm4b:s1+s23], $0x90, s0, s23, $0xb8;
	[tilespmem:$0x1E2A0] =	vst v63  }
.Ltmp6:
0xf8: {  	_ = 	snop;
	(pc) =	sbr.rel @p1 .LBB2_8-.Ltmp6, $4  }
0xf9: {  	_ =	swait.ge [sflag:s5], $0x1B00  }
0xfa: {  	[sflag:s5] =	ssyncset.done $0x0  }
0xfb: {  	[sflag:s5] =	ssyncadd.s32 $0xFFFFE500  }
0xfc: {  	[spmem:s3] =	stream.indirect.scatter.add.f32 [tilespmem:s28], [sflag:$0x5], $0x90, s6, s23, $0xb8;
	[tilespmem:$0x1E2A0] =	vst v63  }
0xfd: {  	_ =	swait.ge [sflag:s8], $0x1B00  }
0xfe: {  	[sflag:s8] =	ssyncset.done $0x0  }
0xff: {  	[sflag:s8] =	ssyncadd.s32 $0xFFFFE500  }
0x100: {  	v1 =	vld [tilespmem:s15+$0x90];
	_ =	sdelay $0x4  }
0x101: {  	v2 =	vand.u32 $0xFFFF, v1  }
0x102: {  	v1 =	vshra.s32 v1, $0x10;
	[tilespmem:$0x2880] =	vst v2  }
0x103: {  	[tilespmem:$0x28B0] =	vst v1  }
0x104: {  	v1 =	vld [tilespmem:s15+$0xA0];
	_ =	sdelay $0x4  }
0x105: {  	v2 =	vand.u32 $0xFFFF, v1  }
0x106: {  	v1 =	vshra.s32 v1, $0x10;
	[tilespmem:$0x2890] =	vst v2  }
0x107: {  	[tilespmem:$0x28C0] =	vst v1  }
0x108: {  	v1 =	vld [tilespmem:s15+$0xB0];
	_ =	sdelay $0x4  }
0x109: {  	v2 =	vand.u32 $0xFFFF, v1  }
0x10a: {  	v1 =	vshra.s32 v1, $0x10;
	[tilespmem:$0x28A0] =	vst v2  }
0x10b: {  	[tilespmem:$0x28D0] =	vst v1  }
0x10c: {  	[tilespmem:s25], [sflag:$0x1] =	stream.indirect.gather [hbm4b:s1+s23], $0x90, s24, s23, $0xb8;
	[tilespmem:$0x1E2A0] =	vst v63  }
0x10d: {  	_ =	swait.ge [sflag:s9], $0x1B00  }
0x10e: {  	[sflag:s9] =	ssyncset.done $0x0  }
0x10f: {  	[sflag:s9] =	ssyncadd.s32 $0xFFFFE500  }
0x110: {  	[spmem:s3] =	stream.indirect.scatter.add.f32 [tilespmem:s29], [sflag:$0x6], $0x90, s10, s23, $0xb8;
	[tilespmem:$0x1E2A0] =	vst v63  }
0x111: {  	_ =	swait.ge [sflag:s11], $0x1B00  }
0x112: {  	[sflag:s11] =	ssyncset.done $0x0  }
0x113: {  	[sflag:s11] =	ssyncadd.s32 $0xFFFFE500  }
0x114: {  	v1 =	vld [tilespmem:s15+$0xC0];
	_ =	sdelay $0x4  }
0x115: {  	v2 =	vand.u32 $0xFFFF, v1  }
0x116: {  	v1 =	vshra.s32 v1, $0x10;
	[tilespmem:$0x28E0] =	vst v2  }
0x117: {  	[tilespmem:$0x2910] =	vst v1  }
0x118: {  	v1 =	vld [tilespmem:s15+$0xD0];
	_ =	sdelay $0x4  }
0x119: {  	v2 =	vand.u32 $0xFFFF, v1  }
0x11a: {  	v1 =	vshra.s32 v1, $0x10;
	[tilespmem:$0x28F0] =	vst v2  }
0x11b: {  	[tilespmem:$0x2920] =	vst v1  }
0x11c: {  	v1 =	vld [tilespmem:s15+$0xE0];
	_ =	sdelay $0x3  }
.Ltmp7:
0x11d: {  	_ = 	snop;
	(pc) =	sbr.rel .LBB2_6-.Ltmp7, $4  }
0x11e: {  	v2 =	vand.u32 $0xFFFF, v1  }
0x11f: {  	v1 =	vshra.s32 v1, $0x10;
	[tilespmem:$0x2900] =	vst v2  }
0x120: {  	s14 =	sadd.s32 $0x240, s14;
	[tilespmem:$0x2930] =	vst v1  }
0x121: {  	[tilespmem:s28], [sflag:$0x2] =	stream.indirect.gather [hbm4b:s1+s23], $0x90, s26, s23, $0xb8;
	[tilespmem:$0x1E2A0] =	vst v63  }
.LBB2_9:
0x122: {  	_ =	sfence.sel $0x180000  }
0x123: {  	[bflag:$0x0] =	sbarrier.arrive $0xFFFF  }
0x124: {  	_ =	strace $0x90000047  }
0x125: {  	s0 =	stileid.u32;
	[bflag:$0x2] =	sbarrier.arrive $0xFFFF  }
0x126: {  	p0 =	sne.s32 s0, $0x0;
	s0 =	rddreg [dreg:$0x3]  }
0x127: {  	s0 =	sadd.s32 @!p0 $0x100000, s0  }
0x128: {  	[sflag:s0] =	ssyncadd.tile.s32 @!p0 $0x1;
	_ =	shalt  }
.Lfunc_end2:
_tile_overlayer_lowered:
.L_overlay_start_2:
0x129: {  	(tag) =	ssettag $0x2  }
0x12a: {  	s0 =	rddreg [dreg:$0x0];
	s2 =	stileid.u32  }
0x12b: {  	s1 =	rddreg [dreg:$0x1];
	p0 =	sne.s32 s2, $0x0  }
0x12c: {  	s3 =	rddreg [dreg:$0x2];
	[bflag:$0x3] =	sbarrier.arrive $0xFFFF;
	s2 =	simm.s32 @!p0 $0x1C08  }
0x12d: {  	[timem:s3], [sflag:s2] =	dma.local @!p0 [hbm:s0], s1  }
0x12e: {  	s0 =	simm.s32 @!p0 $0x8  }
0x12f: {  	_ =	swait.ge @!p0 [sflag:s0], s1  }
0x130: {  	s1 =	ssub.s32 @!p0 $0x0, s1;
	[sflag:s0] =	ssyncset.done @!p0 $0x0  }
0x131: {  	[sflag:s0] =	ssyncadd.s32 @!p0 s1  }
0x132: {  	[bflag:$0x3] =	sbarrier.arrive $0xFFFF  }
0x133: {  	_ =	shalt  }

</sc_bundles>
